<compile_context>
chip_gen: v7x
topology: tpu7x:2x2x1
jax: 0.10.2.dev20260603
libtpu: 0.0.44.dev20260713+nightly
codegen_flags: <defaults>
</compile_context>

<pallas_src>
import functools

import jax
import jax.numpy as jnp
from jax import lax
from jax.experimental import pallas as pl
from jax.experimental.pallas import tpu as pltpu
from jax.experimental.pallas import tpu_sc as plsc

N = 100000
D = 128
G = 64
BLK = 5000
NBLK = N // BLK

_NC = 2
_NS = 16
ROWS_PER_TILE = G // (_NC * _NS)
_VPR = D // 16


def _tc_body(nodes_ref, gid_ref, w_ref, b_ref, part_ref):
    x = nodes_ref[...]
    pre = lax.dot_general(x, w_ref[...], (((1,), (1,)), ((), ())),
                          preferred_element_type=jnp.float32)
    pre = pre + b_ref[...]
    scale = 1.0507009873554804934193349852946
    alpha = 1.6732632423543772848170429916717
    neg = alpha * (jnp.exp(jnp.minimum(pre, 0.0)) - 1.0)
    act = scale * jnp.where(pre > 0, pre, neg)

    gid = gid_ref[0, 0, :]
    cols = lax.broadcasted_iota(jnp.int32, (BLK, G), 1)
    onehot = (gid[:, None] == cols).astype(jnp.float32)
    part_ref[0] = lax.dot_general(onehot, act, (((0,), (0,)), ((), ())),
                                  preferred_element_type=jnp.float32)


def _sc_body(part_hbm, out_hbm, slab, obuf):
    w = lax.axis_index("s") * _NC + lax.axis_index("c")
    r0 = w * ROWS_PER_TILE
    pltpu.sync_copy(part_hbm.at[:, pl.ds(r0, ROWS_PER_TILE), :], slab)

    nv = ROWS_PER_TILE * _VPR

    def body(blk, acc):
        return tuple(
            acc[k] + slab[blk, k // _VPR, pl.ds((k % _VPR) * 16, 16)]
            for k in range(nv))

    acc = lax.fori_loop(
        0, NBLK, body,
        tuple(jnp.zeros((16,), jnp.float32) for _ in range(nv)))

    for k in range(nv):
        a = acc[k]
        t = 1.0 - 2.0 / (jnp.exp(2.0 * a) + 1.0)
        obuf[k // _VPR, pl.ds((k % _VPR) * 16, 16)] = t

    pltpu.sync_copy(obuf, out_hbm.at[pl.ds(r0, ROWS_PER_TILE), :])


@jax.jit
def kernel(nodes, graph_id, W, b):
    gid3 = graph_id.reshape(NBLK, 1, BLK)
    partial = pl.pallas_call(
        _tc_body,
        grid=(NBLK,),
        in_specs=[
            pl.BlockSpec((BLK, D), lambda i: (i, 0)),
            pl.BlockSpec((1, 1, BLK), lambda i: (i, 0, 0)),
            pl.BlockSpec((D, D), lambda i: (0, 0)),
            pl.BlockSpec((1, D), lambda i: (0, 0)),
        ],
        out_specs=pl.BlockSpec((1, G, D), lambda i: (i, 0, 0)),
        out_shape=jax.ShapeDtypeStruct((NBLK, G, D), jnp.float32),
    )(nodes, gid3, W, b.reshape(1, D))

    mesh = plsc.VectorSubcoreMesh(core_axis_name="c", subcore_axis_name="s")
    sc_reduce = functools.partial(
        pl.kernel,
        mesh=mesh,
        out_type=jax.ShapeDtypeStruct((G, D), jnp.float32),
        scratch_types=[
            pltpu.VMEM((NBLK, ROWS_PER_TILE, D), jnp.float32),
            pltpu.VMEM((ROWS_PER_TILE, D), jnp.float32),
        ],
    )(_sc_body)
    return sc_reduce(partial)

# --- scband reference (transcript-rebuilt; emitter-appended) ---
"""Pipeline reference for scband-aggregate-readout-18880676233592 (READ-ONLY COPY).

The authoritative reference and input builder live on the scoring server;
editing this copy changes nothing except your own understanding.
"""

import jax, jax.numpy as jnp
import numpy as np

N = 100000
D = 128
NUM_GRAPHS = 64

def setup_inputs(seed: int = 0) -> dict:
    key = jax.random.key(seed)
    k1, k2, k3, k4 = jax.random.split(key, 4)
    nodes = jax.random.normal(k1, (N, D), dtype=jnp.float32)
    graph_id = jnp.sort(jax.random.randint(k2, (N,), 0, NUM_GRAPHS).astype(jnp.int32))
    # nn.Linear(n_hidden, n_hidden) parameters: weight [D, D], bias [D]
    bound = 1.0 / np.sqrt(D)
    W = jax.random.uniform(k3, (D, D), dtype=jnp.float32, minval=-bound, maxval=bound)
    b = jax.random.uniform(k4, (D,), dtype=jnp.float32, minval=-bound, maxval=bound)
    return {"nodes": nodes, "graph_id": graph_id, "W": W, "b": b}

def reference(nodes, graph_id, W, b):
    batchsize = NUM_GRAPHS
    # F.selu_(self.R(atom_embedding))
    atom_activation = jax.nn.selu(nodes @ W.T + b)
    # graph_sum.index_add_(0, graph_id, atom_activation)
    graph_sum = jnp.zeros((batchsize, atom_activation.shape[1]), dtype=atom_activation.dtype)
    graph_sum = graph_sum.at[graph_id].add(atom_activation)
    # torch.tanh_(graph_sum)
    graph_embedding = jnp.tanh(graph_sum)
    return graph_embedding

if __name__ == "__main__":
    import jax
    _d = setup_inputs()
    print(jax.jit(kernel)(*tuple(_d.values())))

</pallas_src>

<mosaic_0001>
#map = affine_map<(d0, d1) -> (0, 0, 0)>
#map1 = affine_map<(d0, d1) -> (0, 0)>
module attributes {stable_mosaic.version = 14 : i64} {
  func.func @_sc_body(%arg0: i32, %arg1: i32, %arg2: memref<20x64x128xf32, #tpu.memory_space<hbm>>, %arg3: memref<64x128xf32, #tpu.memory_space<hbm>>, %arg4: memref<20x2x128xf32, #tpu.memory_space<vmem>>, %arg5: memref<2x128xf32, #tpu.memory_space<vmem>>) attributes {dimension_semantics = [#tpu.dimension_semantics<core_parallel>, #tpu.dimension_semantics<subcore_parallel>], iteration_bounds = array<i64: 2, 16>, scalar_prefetch = 0 : i64, scratch_operands = 2 : i64, tpu.core_type = #tpu.core_type<sc_vector_subcore>, window_params = [{transform_indices = #map}, {transform_indices = #map1}]} {
    %mul3A = arith.constant 2 : i32
    %mul3A_0 = arith.muli %arg1, %mul3A : i32
    %add3A = arith.addi %mul3A_0, %arg0 : i32
    %mul3A_1 = arith.constant 2 : i32
    %mul3A_2 = arith.muli %add3A, %mul3A_1 : i32
    "tpu.region"() ({
      %run_scoped3A = tpu.sem_alloc : memref<!tpu.dma_semaphore, #tpu.memory_space<semaphore_mem>>
      %dma_start3A = arith.constant 0 : i32
      %dma_start3A_339 = arith.constant 0 : i32
      %dma_start3A_340 = tpu.memref_slice %arg2[%dma_start3A, %mul3A_2, %dma_start3A_339] : memref<20x64x128xf32, #tpu.memory_space<hbm>> -> memref<20x2x128xf32, #tpu.memory_space<hbm>>
      %dma_start3A_341 = arith.constant 0 : i32
      %dma_start3A_342 = arith.constant 0 : i32
      %dma_start3A_343 = tpu.memref_slice %arg2[%dma_start3A_341, %mul3A_2, %dma_start3A_342] : memref<20x64x128xf32, #tpu.memory_space<hbm>> -> memref<20x2x128xf32, #tpu.memory_space<hbm>>
      tpu.enqueue_dma source(%dma_start3A_343 : memref<20x2x128xf32, #tpu.memory_space<hbm>>) target(%arg4 : memref<20x2x128xf32, #tpu.memory_space<vmem>>) target_semaphore(%run_scoped3A : memref<!tpu.dma_semaphore, #tpu.memory_space<semaphore_mem>>)
      %dma_wait3A = arith.constant 0 : i32
      %dma_wait3A_344 = arith.constant 0 : i32
      %dma_wait3A_345 = tpu.memref_slice %arg2[%dma_wait3A, %mul3A_2, %dma_wait3A_344] : memref<20x64x128xf32, #tpu.memory_space<hbm>> -> memref<20x2x128xf32, #tpu.memory_space<hbm>>
      %dma_wait3A_346 = arith.constant 0 : i32
      %dma_wait3A_347 = arith.constant 0 : i32
      %dma_wait3A_348 = tpu.memref_slice %arg2[%dma_wait3A_346, %mul3A_2, %dma_wait3A_347] : memref<20x64x128xf32, #tpu.memory_space<hbm>> -> memref<20x2x128xf32, #tpu.memory_space<hbm>>
      tpu.wait_dma2 semaphore(%run_scoped3A : memref<!tpu.dma_semaphore, #tpu.memory_space<semaphore_mem>>) src(%dma_wait3A_348 : memref<20x2x128xf32, #tpu.memory_space<hbm>>) dst(%arg4 : memref<20x2x128xf32, #tpu.memory_space<vmem>>)
      tpu.yield
    }) : () -> ()
    %broadcast_in_dim3A = arith.constant 0.000000e+00 : f32
    %broadcast_in_dim3A_3 = vector.broadcast %broadcast_in_dim3A : f32 to vector<16xf32>
    %broadcast_in_dim3A_4 = arith.constant 0.000000e+00 : f32
    %broadcast_in_dim3A_5 = vector.broadcast %broadcast_in_dim3A_4 : f32 to vector<16xf32>
    %broadcast_in_dim3A_6 = arith.constant 0.000000e+00 : f32
    %broadcast_in_dim3A_7 = vector.broadcast %broadcast_in_dim3A_6 : f32 to vector<16xf32>
    %broadcast_in_dim3A_8 = arith.constant 0.000000e+00 : f32
    %broadcast_in_dim3A_9 = vector.broadcast %broadcast_in_dim3A_8 : f32 to vector<16xf32>
    %broadcast_in_dim3A_10 = arith.constant 0.000000e+00 : f32
    %broadcast_in_dim3A_11 = vector.broadcast %broadcast_in_dim3A_10 : f32 to vector<16xf32>
    %broadcast_in_dim3A_12 = arith.constant 0.000000e+00 : f32
    %broadcast_in_dim3A_13 = vector.broadcast %broadcast_in_dim3A_12 : f32 to vector<16xf32>
    %broadcast_in_dim3A_14 = arith.constant 0.000000e+00 : f32
    %broadcast_in_dim3A_15 = vector.broadcast %broadcast_in_dim3A_14 : f32 to vector<16xf32>
    %broadcast_in_dim3A_16 = arith.constant 0.000000e+00 : f32
    %broadcast_in_dim3A_17 = vector.broadcast %broadcast_in_dim3A_16 : f32 to vector<16xf32>
    %broadcast_in_dim3A_18 = arith.constant 0.000000e+00 : f32
    %broadcast_in_dim3A_19 = vector.broadcast %broadcast_in_dim3A_18 : f32 to vector<16xf32>
    %broadcast_in_dim3A_20 = arith.constant 0.000000e+00 : f32
    %broadcast_in_dim3A_21 = vector.broadcast %broadcast_in_dim3A_20 : f32 to vector<16xf32>
    %broadcast_in_dim3A_22 = arith.constant 0.000000e+00 : f32
    %broadcast_in_dim3A_23 = vector.broadcast %broadcast_in_dim3A_22 : f32 to vector<16xf32>
    %broadcast_in_dim3A_24 = arith.constant 0.000000e+00 : f32
    %broadcast_in_dim3A_25 = vector.broadcast %broadcast_in_dim3A_24 : f32 to vector<16xf32>
    %broadcast_in_dim3A_26 = arith.constant 0.000000e+00 : f32
    %broadcast_in_dim3A_27 = vector.broadcast %broadcast_in_dim3A_26 : f32 to vector<16xf32>
    %broadcast_in_dim3A_28 = arith.constant 0.000000e+00 : f32
    %broadcast_in_dim3A_29 = vector.broadcast %broadcast_in_dim3A_28 : f32 to vector<16xf32>
    %broadcast_in_dim3A_30 = arith.constant 0.000000e+00 : f32
    %broadcast_in_dim3A_31 = vector.broadcast %broadcast_in_dim3A_30 : f32 to vector<16xf32>
    %broadcast_in_dim3A_32 = arith.constant 0.000000e+00 : f32
    %broadcast_in_dim3A_33 = vector.broadcast %broadcast_in_dim3A_32 : f32 to vector<16xf32>
    %scan3A = arith.constant 0 : i32
    %scan3A_34 = arith.constant 20 : i32
    %scan3A_35 = arith.addi %scan3A, %scan3A_34 : i32
    %scan3A_36 = arith.constant 1 : i32
    %scan3A_37:16 = scf.for %scan3A_339 = %scan3A to %scan3A_35 step %scan3A_36 iter_args(%scan3A_340 = %broadcast_in_dim3A_3, %scan3A_341 = %broadcast_in_dim3A_5, %scan3A_342 = %broadcast_in_dim3A_7, %scan3A_343 = %broadcast_in_dim3A_9, %scan3A_344 = %broadcast_in_dim3A_11, %scan3A_345 = %broadcast_in_dim3A_13, %scan3A_346 = %broadcast_in_dim3A_15, %scan3A_347 = %broadcast_in_dim3A_17, %scan3A_348 = %broadcast_in_dim3A_19, %scan3A_349 = %broadcast_in_dim3A_21, %scan3A_350 = %broadcast_in_dim3A_23, %scan3A_351 = %broadcast_in_dim3A_25, %scan3A_352 = %broadcast_in_dim3A_27, %scan3A_353 = %broadcast_in_dim3A_29, %scan3A_354 = %broadcast_in_dim3A_31, %scan3A_355 = %broadcast_in_dim3A_33) -> (vector<16xf32>, vector<16xf32>, vector<16xf32>, vector<16xf32>, vector<16xf32>, vector<16xf32>, vector<16xf32>, vector<16xf32>, vector<16xf32>, vector<16xf32>, vector<16xf32>, vector<16xf32>, vector<16xf32>, vector<16xf32>, vector<16xf32>, vector<16xf32>)  : i32 {
      %get3A = arith.constant 0 : i32
      %get3A_356 = arith.index_cast %scan3A_339 : i32 to index
      %get3A_357 = arith.index_cast %get3A : i32 to index
      %get3A_358 = arith.constant 0 : index
      %get3A_359 = tpu.vector_load %arg4[%get3A_356, %get3A_357, %get3A_358] {strides = array<i32>} : memref<20x2x128xf32, #tpu.memory_space<vmem>>, vector<1x1x16xf32>,
      %get3A_360 = vector.shape_cast %get3A_359 : vector<1x1x16xf32> to vector<16xf32>
      %add3A_361 = arith.addf %scan3A_340, %get3A_360 : vector<16xf32>
      %get3A_362 = arith.constant 0 : i32
      %get3A_363 = arith.index_cast %scan3A_339 : i32 to index
      %get3A_364 = arith.index_cast %get3A_362 : i32 to index
      %get3A_365 = arith.constant 16 : index
      %get3A_366 = tpu.vector_load %arg4[%get3A_363, %get3A_364, %get3A_365] {strides = array<i32>} : memref<20x2x128xf32, #tpu.memory_space<vmem>>, vector<1x1x16xf32>,
      %get3A_367 = vector.shape_cast %get3A_366 : vector<1x1x16xf32> to vector<16xf32>
      %add3A_368 = arith.addf %scan3A_341, %get3A_367 : vector<16xf32>
      %get3A_369 = arith.constant 0 : i32
      %get3A_370 = arith.index_cast %scan3A_339 : i32 to index
      %get3A_371 = arith.index_cast %get3A_369 : i32 to index
      %get3A_372 = arith.constant 32 : index
      %get3A_373 = tpu.vector_load %arg4[%get3A_370, %get3A_371, %get3A_372] {strides = array<i32>} : memref<20x2x128xf32, #tpu.memory_space<vmem>>, vector<1x1x16xf32>,
      %get3A_374 = vector.shape_cast %get3A_373 : vector<1x1x16xf32> to vector<16xf32>
      %add3A_375 = arith.addf %scan3A_342, %get3A_374 : vector<16xf32>
      %get3A_376 = arith.constant 0 : i32
      %get3A_377 = arith.index_cast %scan3A_339 : i32 to index
      %get3A_378 = arith.index_cast %get3A_376 : i32 to index
      %get3A_379 = arith.constant 48 : index
      %get3A_380 = tpu.vector_load %arg4[%get3A_377, %get3A_378, %get3A_379] {strides = array<i32>} : memref<20x2x128xf32, #tpu.memory_space<vmem>>, vector<1x1x16xf32>,
      %get3A_381 = vector.shape_cast %get3A_380 : vector<1x1x16xf32> to vector<16xf32>
      %add3A_382 = arith.addf %scan3A_343, %get3A_381 : vector<16xf32>
      %get3A_383 = arith.constant 0 : i32
      %get3A_384 = arith.index_cast %scan3A_339 : i32 to index
      %get3A_385 = arith.index_cast %get3A_383 : i32 to index
      %get3A_386 = arith.constant 64 : index
      %get3A_387 = tpu.vector_load %arg4[%get3A_384, %get3A_385, %get3A_386] {strides = array<i32>} : memref<20x2x128xf32, #tpu.memory_space<vmem>>, vector<1x1x16xf32>,
      %get3A_388 = vector.shape_cast %get3A_387 : vector<1x1x16xf32> to vector<16xf32>
      %add3A_389 = arith.addf %scan3A_344, %get3A_388 : vector<16xf32>
      %get3A_390 = arith.constant 0 : i32
      %get3A_391 = arith.index_cast %scan3A_339 : i32 to index
      %get3A_392 = arith.index_cast %get3A_390 : i32 to index
      %get3A_393 = arith.constant 80 : index
      %get3A_394 = tpu.vector_load %arg4[%get3A_391, %get3A_392, %get3A_393] {strides = array<i32>} : memref<20x2x128xf32, #tpu.memory_space<vmem>>, vector<1x1x16xf32>,
      %get3A_395 = vector.shape_cast %get3A_394 : vector<1x1x16xf32> to vector<16xf32>
      %add3A_396 = arith.addf %scan3A_345, %get3A_395 : vector<16xf32>
      %get3A_397 = arith.constant 0 : i32
      %get3A_398 = arith.index_cast %scan3A_339 : i32 to index
      %get3A_399 = arith.index_cast %get3A_397 : i32 to index
      %get3A_400 = arith.constant 96 : index
      %get3A_401 = tpu.vector_load %arg4[%get3A_398, %get3A_399, %get3A_400] {strides = array<i32>} : memref<20x2x128xf32, #tpu.memory_space<vmem>>, vector<1x1x16xf32>,
      %get3A_402 = vector.shape_cast %get3A_401 : vector<1x1x16xf32> to vector<16xf32>
      %add3A_403 = arith.addf %scan3A_346, %get3A_402 : vector<16xf32>
      %get3A_404 = arith.constant 0 : i32
      %get3A_405 = arith.index_cast %scan3A_339 : i32 to index
      %get3A_406 = arith.index_cast %get3A_404 : i32 to index
      %get3A_407 = arith.constant 112 : index
      %get3A_408 = tpu.vector_load %arg4[%get3A_405, %get3A_406, %get3A_407] {strides = array<i32>} : memref<20x2x128xf32, #tpu.memory_space<vmem>>, vector<1x1x16xf32>,
      %get3A_409 = vector.shape_cast %get3A_408 : vector<1x1x16xf32> to vector<16xf32>
      %add3A_410 = arith.addf %scan3A_347, %get3A_409 : vector<16xf32>
      %get3A_411 = arith.constant 1 : i32
      %get3A_412 = arith.index_cast %scan3A_339 : i32 to index
      %get3A_413 = arith.index_cast %get3A_411 : i32 to index
      %get3A_414 = arith.constant 0 : index
      %get3A_415 = tpu.vector_load %arg4[%get3A_412, %get3A_413, %get3A_414] {strides = array<i32>} : memref<20x2x128xf32, #tpu.memory_space<vmem>>, vector<1x1x16xf32>,
      %get3A_416 = vector.shape_cast %get3A_415 : vector<1x1x16xf32> to vector<16xf32>
      %add3A_417 = arith.addf %scan3A_348, %get3A_416 : vector<16xf32>
      %get3A_418 = arith.constant 1 : i32
      %get3A_419 = arith.index_cast %scan3A_339 : i32 to index
      %get3A_420 = arith.index_cast %get3A_418 : i32 to index
      %get3A_421 = arith.constant 16 : index
      %get3A_422 = tpu.vector_load %arg4[%get3A_419, %get3A_420, %get3A_421] {strides = array<i32>} : memref<20x2x128xf32, #tpu.memory_space<vmem>>, vector<1x1x16xf32>,
      %get3A_423 = vector.shape_cast %get3A_422 : vector<1x1x16xf32> to vector<16xf32>
      %add3A_424 = arith.addf %scan3A_349, %get3A_423 : vector<16xf32>
      %get3A_425 = arith.constant 1 : i32
      %get3A_426 = arith.index_cast %scan3A_339 : i32 to index
      %get3A_427 = arith.index_cast %get3A_425 : i32 to index
      %get3A_428 = arith.constant 32 : index
      %get3A_429 = tpu.vector_load %arg4[%get3A_426, %get3A_427, %get3A_428] {strides = array<i32>} : memref<20x2x128xf32, #tpu.memory_space<vmem>>, vector<1x1x16xf32>,
      %get3A_430 = vector.shape_cast %get3A_429 : vector<1x1x16xf32> to vector<16xf32>
      %add3A_431 = arith.addf %scan3A_350, %get3A_430 : vector<16xf32>
      %get3A_432 = arith.constant 1 : i32
      %get3A_433 = arith.index_cast %scan3A_339 : i32 to index
      %get3A_434 = arith.index_cast %get3A_432 : i32 to index
      %get3A_435 = arith.constant 48 : index
      %get3A_436 = tpu.vector_load %arg4[%get3A_433, %get3A_434, %get3A_435] {strides = array<i32>} : memref<20x2x128xf32, #tpu.memory_space<vmem>>, vector<1x1x16xf32>,
      %get3A_437 = vector.shape_cast %get3A_436 : vector<1x1x16xf32> to vector<16xf32>
      %add3A_438 = arith.addf %scan3A_351, %get3A_437 : vector<16xf32>
      %get3A_439 = arith.constant 1 : i32
      %get3A_440 = arith.index_cast %scan3A_339 : i32 to index
      %get3A_441 = arith.index_cast %get3A_439 : i32 to index
      %get3A_442 = arith.constant 64 : index
      %get3A_443 = tpu.vector_load %arg4[%get3A_440, %get3A_441, %get3A_442] {strides = array<i32>} : memref<20x2x128xf32, #tpu.memory_space<vmem>>, vector<1x1x16xf32>,
      %get3A_444 = vector.shape_cast %get3A_443 : vector<1x1x16xf32> to vector<16xf32>
      %add3A_445 = arith.addf %scan3A_352, %get3A_444 : vector<16xf32>
      %get3A_446 = arith.constant 1 : i32
      %get3A_447 = arith.index_cast %scan3A_339 : i32 to index
      %get3A_448 = arith.index_cast %get3A_446 : i32 to index
      %get3A_449 = arith.constant 80 : index
      %get3A_450 = tpu.vector_load %arg4[%get3A_447, %get3A_448, %get3A_449] {strides = array<i32>} : memref<20x2x128xf32, #tpu.memory_space<vmem>>, vector<1x1x16xf32>,
      %get3A_451 = vector.shape_cast %get3A_450 : vector<1x1x16xf32> to vector<16xf32>
      %add3A_452 = arith.addf %scan3A_353, %get3A_451 : vector<16xf32>
      %get3A_453 = arith.constant 1 : i32
      %get3A_454 = arith.index_cast %scan3A_339 : i32 to index
      %get3A_455 = arith.index_cast %get3A_453 : i32 to index
      %get3A_456 = arith.constant 96 : index
      %get3A_457 = tpu.vector_load %arg4[%get3A_454, %get3A_455, %get3A_456] {strides = array<i32>} : memref<20x2x128xf32, #tpu.memory_space<vmem>>, vector<1x1x16xf32>,
      %get3A_458 = vector.shape_cast %get3A_457 : vector<1x1x16xf32> to vector<16xf32>
      %add3A_459 = arith.addf %scan3A_354, %get3A_458 : vector<16xf32>
      %get3A_460 = arith.constant 1 : i32
      %get3A_461 = arith.index_cast %scan3A_339 : i32 to index
      %get3A_462 = arith.index_cast %get3A_460 : i32 to index
      %get3A_463 = arith.constant 112 : index
      %get3A_464 = tpu.vector_load %arg4[%get3A_461, %get3A_462, %get3A_463] {strides = array<i32>} : memref<20x2x128xf32, #tpu.memory_space<vmem>>, vector<1x1x16xf32>,
      %get3A_465 = vector.shape_cast %get3A_464 : vector<1x1x16xf32> to vector<16xf32>
      %add3A_466 = arith.addf %scan3A_355, %get3A_465 : vector<16xf32>
      scf.yield %add3A_361, %add3A_368, %add3A_375, %add3A_382, %add3A_389, %add3A_396, %add3A_403, %add3A_410, %add3A_417, %add3A_424, %add3A_431, %add3A_438, %add3A_445, %add3A_452, %add3A_459, %add3A_466 : vector<16xf32>, vector<16xf32>, vector<16xf32>, vector<16xf32>, vector<16xf32>, vector<16xf32>, vector<16xf32>, vector<16xf32>, vector<16xf32>, vector<16xf32>, vector<16xf32>, vector<16xf32>, vector<16xf32>, vector<16xf32>, vector<16xf32>, vector<16xf32>
    }
    %scan3A_38 = arith.constant 20 : i32
    %mul3A_39 = arith.constant 2.000000e+00 : f32
    %mul3A_40 = vector.broadcast %mul3A_39 : f32 to vector<16xf32>
    %mul3A_41 = arith.mulf %mul3A_40, %scan3A_37#0 : vector<16xf32>
    %exp3A = math.exp %mul3A_41 : vector<16xf32>
    %add3A_42 = arith.constant 1.000000e+00 : f32
    %add3A_43 = vector.broadcast %add3A_42 : f32 to vector<16xf32>
    %add3A_44 = arith.addf %exp3A, %add3A_43 : vector<16xf32>
    %div3A = arith.constant 2.000000e+00 : f32
    %div3A_45 = vector.broadcast %div3A : f32 to vector<16xf32>
    %div3A_46 = arith.divf %div3A_45, %add3A_44 : vector<16xf32>
    %sub3A = arith.constant 1.000000e+00 : f32
    %sub3A_47 = vector.broadcast %sub3A : f32 to vector<16xf32>
    %sub3A_48 = arith.subf %sub3A_47, %div3A_46 : vector<16xf32>
    %swap3A = arith.constant 0 : i32
    %swap3A_49 = arith.index_cast %swap3A : i32 to index
    %swap3A_50 = arith.constant 0 : index
    %swap3A_51 = tpu.vector_load %arg5[%swap3A_49, %swap3A_50] {strides = array<i32>} : memref<2x128xf32, #tpu.memory_space<vmem>>, vector<1x16xf32>,
    %swap3A_52 = vector.shape_cast %swap3A_51 : vector<1x16xf32> to vector<16xf32>
    %swap3A_53 = vector.shape_cast %sub3A_48 : vector<16xf32> to vector<1x16xf32>
    tpu.vector_store %arg5[%swap3A_49, %swap3A_50], %swap3A_53 {strides = array<i32>} : memref<2x128xf32, #tpu.memory_space<vmem>>, vector<1x16xf32>,
    %mul3A_54 = arith.constant 2.000000e+00 : f32
    %mul3A_55 = vector.broadcast %mul3A_54 : f32 to vector<16xf32>
    %mul3A_56 = arith.mulf %mul3A_55, %scan3A_37#1 : vector<16xf32>
    %exp3A_57 = math.exp %mul3A_56 : vector<16xf32>
    %add3A_58 = arith.constant 1.000000e+00 : f32
    %add3A_59 = vector.broadcast %add3A_58 : f32 to vector<16xf32>
    %add3A_60 = arith.addf %exp3A_57, %add3A_59 : vector<16xf32>
    %div3A_61 = arith.constant 2.000000e+00 : f32
    %div3A_62 = vector.broadcast %div3A_61 : f32 to vector<16xf32>
    %div3A_63 = arith.divf %div3A_62, %add3A_60 : vector<16xf32>
    %sub3A_64 = arith.constant 1.000000e+00 : f32
    %sub3A_65 = vector.broadcast %sub3A_64 : f32 to vector<16xf32>
    %sub3A_66 = arith.subf %sub3A_65, %div3A_63 : vector<16xf32>
    %swap3A_67 = arith.constant 0 : i32
    %swap3A_68 = arith.index_cast %swap3A_67 : i32 to index
    %swap3A_69 = arith.constant 16 : index
    %swap3A_70 = tpu.vector_load %arg5[%swap3A_68, %swap3A_69] {strides = array<i32>} : memref<2x128xf32, #tpu.memory_space<vmem>>, vector<1x16xf32>,
    %swap3A_71 = vector.shape_cast %swap3A_70 : vector<1x16xf32> to vector<16xf32>
    %swap3A_72 = vector.shape_cast %sub3A_66 : vector<16xf32> to vector<1x16xf32>
    tpu.vector_store %arg5[%swap3A_68, %swap3A_69], %swap3A_72 {strides = array<i32>} : memref<2x128xf32, #tpu.memory_space<vmem>>, vector<1x16xf32>,
    %mul3A_73 = arith.constant 2.000000e+00 : f32
    %mul3A_74 = vector.broadcast %mul3A_73 : f32 to vector<16xf32>
    %mul3A_75 = arith.mulf %mul3A_74, %scan3A_37#2 : vector<16xf32>
    %exp3A_76 = math.exp %mul3A_75 : vector<16xf32>
    %add3A_77 = arith.constant 1.000000e+00 : f32
    %add3A_78 = vector.broadcast %add3A_77 : f32 to vector<16xf32>
    %add3A_79 = arith.addf %exp3A_76, %add3A_78 : vector<16xf32>
    %div3A_80 = arith.constant 2.000000e+00 : f32
    %div3A_81 = vector.broadcast %div3A_80 : f32 to vector<16xf32>
    %div3A_82 = arith.divf %div3A_81, %add3A_79 : vector<16xf32>
    %sub3A_83 = arith.constant 1.000000e+00 : f32
    %sub3A_84 = vector.broadcast %sub3A_83 : f32 to vector<16xf32>
    %sub3A_85 = arith.subf %sub3A_84, %div3A_82 : vector<16xf32>
    %swap3A_86 = arith.constant 0 : i32
    %swap3A_87 = arith.index_cast %swap3A_86 : i32 to index
    %swap3A_88 = arith.constant 32 : index
    %swap3A_89 = tpu.vector_load %arg5[%swap3A_87, %swap3A_88] {strides = array<i32>} : memref<2x128xf32, #tpu.memory_space<vmem>>, vector<1x16xf32>,
    %swap3A_90 = vector.shape_cast %swap3A_89 : vector<1x16xf32> to vector<16xf32>
    %swap3A_91 = vector.shape_cast %sub3A_85 : vector<16xf32> to vector<1x16xf32>
    tpu.vector_store %arg5[%swap3A_87, %swap3A_88], %swap3A_91 {strides = array<i32>} : memref<2x128xf32, #tpu.memory_space<vmem>>, vector<1x16xf32>,
    %mul3A_92 = arith.constant 2.000000e+00 : f32
    %mul3A_93 = vector.broadcast %mul3A_92 : f32 to vector<16xf32>
    %mul3A_94 = arith.mulf %mul3A_93, %scan3A_37#3 : vector<16xf32>
    %exp3A_95 = math.exp %mul3A_94 : vector<16xf32>
    %add3A_96 = arith.constant 1.000000e+00 : f32
    %add3A_97 = vector.broadcast %add3A_96 : f32 to vector<16xf32>
    %add3A_98 = arith.addf %exp3A_95, %add3A_97 : vector<16xf32>
    %div3A_99 = arith.constant 2.000000e+00 : f32
    %div3A_100 = vector.broadcast %div3A_99 : f32 to vector<16xf32>
    %div3A_101 = arith.divf %div3A_100, %add3A_98 : vector<16xf32>
    %sub3A_102 = arith.constant 1.000000e+00 : f32
    %sub3A_103 = vector.broadcast %sub3A_102 : f32 to vector<16xf32>
    %sub3A_104 = arith.subf %sub3A_103, %div3A_101 : vector<16xf32>
    %swap3A_105 = arith.constant 0 : i32
    %swap3A_106 = arith.index_cast %swap3A_105 : i32 to index
    %swap3A_107 = arith.constant 48 : index
    %swap3A_108 = tpu.vector_load %arg5[%swap3A_106, %swap3A_107] {strides = array<i32>} : memref<2x128xf32, #tpu.memory_space<vmem>>, vector<1x16xf32>,
    %swap3A_109 = vector.shape_cast %swap3A_108 : vector<1x16xf32> to vector<16xf32>
    %swap3A_110 = vector.shape_cast %sub3A_104 : vector<16xf32> to vector<1x16xf32>
    tpu.vector_store %arg5[%swap3A_106, %swap3A_107], %swap3A_110 {strides = array<i32>} : memref<2x128xf32, #tpu.memory_space<vmem>>, vector<1x16xf32>,
    %mul3A_111 = arith.constant 2.000000e+00 : f32
    %mul3A_112 = vector.broadcast %mul3A_111 : f32 to vector<16xf32>
    %mul3A_113 = arith.mulf %mul3A_112, %scan3A_37#4 : vector<16xf32>
    %exp3A_114 = math.exp %mul3A_113 : vector<16xf32>
    %add3A_115 = arith.constant 1.000000e+00 : f32
    %add3A_116 = vector.broadcast %add3A_115 : f32 to vector<16xf32>
    %add3A_117 = arith.addf %exp3A_114, %add3A_116 : vector<16xf32>
    %div3A_118 = arith.constant 2.000000e+00 : f32
    %div3A_119 = vector.broadcast %div3A_118 : f32 to vector<16xf32>
    %div3A_120 = arith.divf %div3A_119, %add3A_117 : vector<16xf32>
    %sub3A_121 = arith.constant 1.000000e+00 : f32
    %sub3A_122 = vector.broadcast %sub3A_121 : f32 to vector<16xf32>
    %sub3A_123 = arith.subf %sub3A_122, %div3A_120 : vector<16xf32>
    %swap3A_124 = arith.constant 0 : i32
    %swap3A_125 = arith.index_cast %swap3A_124 : i32 to index
    %swap3A_126 = arith.constant 64 : index
    %swap3A_127 = tpu.vector_load %arg5[%swap3A_125, %swap3A_126] {strides = array<i32>} : memref<2x128xf32, #tpu.memory_space<vmem>>, vector<1x16xf32>,
    %swap3A_128 = vector.shape_cast %swap3A_127 : vector<1x16xf32> to vector<16xf32>
    %swap3A_129 = vector.shape_cast %sub3A_123 : vector<16xf32> to vector<1x16xf32>
    tpu.vector_store %arg5[%swap3A_125, %swap3A_126], %swap3A_129 {strides = array<i32>} : memref<2x128xf32, #tpu.memory_space<vmem>>, vector<1x16xf32>,
    %mul3A_130 = arith.constant 2.000000e+00 : f32
    %mul3A_131 = vector.broadcast %mul3A_130 : f32 to vector<16xf32>
    %mul3A_132 = arith.mulf %mul3A_131, %scan3A_37#5 : vector<16xf32>
    %exp3A_133 = math.exp %mul3A_132 : vector<16xf32>
    %add3A_134 = arith.constant 1.000000e+00 : f32
    %add3A_135 = vector.broadcast %add3A_134 : f32 to vector<16xf32>
    %add3A_136 = arith.addf %exp3A_133, %add3A_135 : vector<16xf32>
    %div3A_137 = arith.constant 2.000000e+00 : f32
    %div3A_138 = vector.broadcast %div3A_137 : f32 to vector<16xf32>
    %div3A_139 = arith.divf %div3A_138, %add3A_136 : vector<16xf32>
    %sub3A_140 = arith.constant 1.000000e+00 : f32
    %sub3A_141 = vector.broadcast %sub3A_140 : f32 to vector<16xf32>
    %sub3A_142 = arith.subf %sub3A_141, %div3A_139 : vector<16xf32>
    %swap3A_143 = arith.constant 0 : i32
    %swap3A_144 = arith.index_cast %swap3A_143 : i32 to index
    %swap3A_145 = arith.constant 80 : index
    %swap3A_146 = tpu.vector_load %arg5[%swap3A_144, %swap3A_145] {strides = array<i32>} : memref<2x128xf32, #tpu.memory_space<vmem>>, vector<1x16xf32>,
    %swap3A_147 = vector.shape_cast %swap3A_146 : vector<1x16xf32> to vector<16xf32>
    %swap3A_148 = vector.shape_cast %sub3A_142 : vector<16xf32> to vector<1x16xf32>
    tpu.vector_store %arg5[%swap3A_144, %swap3A_145], %swap3A_148 {strides = array<i32>} : memref<2x128xf32, #tpu.memory_space<vmem>>, vector<1x16xf32>,
    %mul3A_149 = arith.constant 2.000000e+00 : f32
    %mul3A_150 = vector.broadcast %mul3A_149 : f32 to vector<16xf32>
    %mul3A_151 = arith.mulf %mul3A_150, %scan3A_37#6 : vector<16xf32>
    %exp3A_152 = math.exp %mul3A_151 : vector<16xf32>
    %add3A_153 = arith.constant 1.000000e+00 : f32
    %add3A_154 = vector.broadcast %add3A_153 : f32 to vector<16xf32>
    %add3A_155 = arith.addf %exp3A_152, %add3A_154 : vector<16xf32>
    %div3A_156 = arith.constant 2.000000e+00 : f32
    %div3A_157 = vector.broadcast %div3A_156 : f32 to vector<16xf32>
    %div3A_158 = arith.divf %div3A_157, %add3A_155 : vector<16xf32>
    %sub3A_159 = arith.constant 1.000000e+00 : f32
    %sub3A_160 = vector.broadcast %sub3A_159 : f32 to vector<16xf32>
    %sub3A_161 = arith.subf %sub3A_160, %div3A_158 : vector<16xf32>
    %swap3A_162 = arith.constant 0 : i32
    %swap3A_163 = arith.index_cast %swap3A_162 : i32 to index
    %swap3A_164 = arith.constant 96 : index
    %swap3A_165 = tpu.vector_load %arg5[%swap3A_163, %swap3A_164] {strides = array<i32>} : memref<2x128xf32, #tpu.memory_space<vmem>>, vector<1x16xf32>,
    %swap3A_166 = vector.shape_cast %swap3A_165 : vector<1x16xf32> to vector<16xf32>
    %swap3A_167 = vector.shape_cast %sub3A_161 : vector<16xf32> to vector<1x16xf32>
    tpu.vector_store %arg5[%swap3A_163, %swap3A_164], %swap3A_167 {strides = array<i32>} : memref<2x128xf32, #tpu.memory_space<vmem>>, vector<1x16xf32>,
    %mul3A_168 = arith.constant 2.000000e+00 : f32
    %mul3A_169 = vector.broadcast %mul3A_168 : f32 to vector<16xf32>
    %mul3A_170 = arith.mulf %mul3A_169, %scan3A_37#7 : vector<16xf32>
    %exp3A_171 = math.exp %mul3A_170 : vector<16xf32>
    %add3A_172 = arith.constant 1.000000e+00 : f32
    %add3A_173 = vector.broadcast %add3A_172 : f32 to vector<16xf32>
    %add3A_174 = arith.addf %exp3A_171, %add3A_173 : vector<16xf32>
    %div3A_175 = arith.constant 2.000000e+00 : f32
    %div3A_176 = vector.broadcast %div3A_175 : f32 to vector<16xf32>
    %div3A_177 = arith.divf %div3A_176, %add3A_174 : vector<16xf32>
    %sub3A_178 = arith.constant 1.000000e+00 : f32
    %sub3A_179 = vector.broadcast %sub3A_178 : f32 to vector<16xf32>
    %sub3A_180 = arith.subf %sub3A_179, %div3A_177 : vector<16xf32>
    %swap3A_181 = arith.constant 0 : i32
    %swap3A_182 = arith.index_cast %swap3A_181 : i32 to index
    %swap3A_183 = arith.constant 112 : index
    %swap3A_184 = tpu.vector_load %arg5[%swap3A_182, %swap3A_183] {strides = array<i32>} : memref<2x128xf32, #tpu.memory_space<vmem>>, vector<1x16xf32>,
    %swap3A_185 = vector.shape_cast %swap3A_184 : vector<1x16xf32> to vector<16xf32>
    %swap3A_186 = vector.shape_cast %sub3A_180 : vector<16xf32> to vector<1x16xf32>
    tpu.vector_store %arg5[%swap3A_182, %swap3A_183], %swap3A_186 {strides = array<i32>} : memref<2x128xf32, #tpu.memory_space<vmem>>, vector<1x16xf32>,
    %mul3A_187 = arith.constant 2.000000e+00 : f32
    %mul3A_188 = vector.broadcast %mul3A_187 : f32 to vector<16xf32>
    %mul3A_189 = arith.mulf %mul3A_188, %scan3A_37#8 : vector<16xf32>
    %exp3A_190 = math.exp %mul3A_189 : vector<16xf32>
    %add3A_191 = arith.constant 1.000000e+00 : f32
    %add3A_192 = vector.broadcast %add3A_191 : f32 to vector<16xf32>
    %add3A_193 = arith.addf %exp3A_190, %add3A_192 : vector<16xf32>
    %div3A_194 = arith.constant 2.000000e+00 : f32
    %div3A_195 = vector.broadcast %div3A_194 : f32 to vector<16xf32>
    %div3A_196 = arith.divf %div3A_195, %add3A_193 : vector<16xf32>
    %sub3A_197 = arith.constant 1.000000e+00 : f32
    %sub3A_198 = vector.broadcast %sub3A_197 : f32 to vector<16xf32>
    %sub3A_199 = arith.subf %sub3A_198, %div3A_196 : vector<16xf32>
    %swap3A_200 = arith.constant 1 : i32
    %swap3A_201 = arith.index_cast %swap3A_200 : i32 to index
    %swap3A_202 = arith.constant 0 : index
    %swap3A_203 = tpu.vector_load %arg5[%swap3A_201, %swap3A_202] {strides = array<i32>} : memref<2x128xf32, #tpu.memory_space<vmem>>, vector<1x16xf32>,
    %swap3A_204 = vector.shape_cast %swap3A_203 : vector<1x16xf32> to vector<16xf32>
    %swap3A_205 = vector.shape_cast %sub3A_199 : vector<16xf32> to vector<1x16xf32>
    tpu.vector_store %arg5[%swap3A_201, %swap3A_202], %swap3A_205 {strides = array<i32>} : memref<2x128xf32, #tpu.memory_space<vmem>>, vector<1x16xf32>,
    %mul3A_206 = arith.constant 2.000000e+00 : f32
    %mul3A_207 = vector.broadcast %mul3A_206 : f32 to vector<16xf32>
    %mul3A_208 = arith.mulf %mul3A_207, %scan3A_37#9 : vector<16xf32>
    %exp3A_209 = math.exp %mul3A_208 : vector<16xf32>
    %add3A_210 = arith.constant 1.000000e+00 : f32
    %add3A_211 = vector.broadcast %add3A_210 : f32 to vector<16xf32>
    %add3A_212 = arith.addf %exp3A_209, %add3A_211 : vector<16xf32>
    %div3A_213 = arith.constant 2.000000e+00 : f32
    %div3A_214 = vector.broadcast %div3A_213 : f32 to vector<16xf32>
    %div3A_215 = arith.divf %div3A_214, %add3A_212 : vector<16xf32>
    %sub3A_216 = arith.constant 1.000000e+00 : f32
    %sub3A_217 = vector.broadcast %sub3A_216 : f32 to vector<16xf32>
    %sub3A_218 = arith.subf %sub3A_217, %div3A_215 : vector<16xf32>
    %swap3A_219 = arith.constant 1 : i32
    %swap3A_220 = arith.index_cast %swap3A_219 : i32 to index
    %swap3A_221 = arith.constant 16 : index
    %swap3A_222 = tpu.vector_load %arg5[%swap3A_220, %swap3A_221] {strides = array<i32>} : memref<2x128xf32, #tpu.memory_space<vmem>>, vector<1x16xf32>,
    %swap3A_223 = vector.shape_cast %swap3A_222 : vector<1x16xf32> to vector<16xf32>
    %swap3A_224 = vector.shape_cast %sub3A_218 : vector<16xf32> to vector<1x16xf32>
    tpu.vector_store %arg5[%swap3A_220, %swap3A_221], %swap3A_224 {strides = array<i32>} : memref<2x128xf32, #tpu.memory_space<vmem>>, vector<1x16xf32>,
    %mul3A_225 = arith.constant 2.000000e+00 : f32
    %mul3A_226 = vector.broadcast %mul3A_225 : f32 to vector<16xf32>
    %mul3A_227 = arith.mulf %mul3A_226, %scan3A_37#10 : vector<16xf32>
    %exp3A_228 = math.exp %mul3A_227 : vector<16xf32>
    %add3A_229 = arith.constant 1.000000e+00 : f32
    %add3A_230 = vector.broadcast %add3A_229 : f32 to vector<16xf32>
    %add3A_231 = arith.addf %exp3A_228, %add3A_230 : vector<16xf32>
    %div3A_232 = arith.constant 2.000000e+00 : f32
    %div3A_233 = vector.broadcast %div3A_232 : f32 to vector<16xf32>
    %div3A_234 = arith.divf %div3A_233, %add3A_231 : vector<16xf32>
    %sub3A_235 = arith.constant 1.000000e+00 : f32
    %sub3A_236 = vector.broadcast %sub3A_235 : f32 to vector<16xf32>
    %sub3A_237 = arith.subf %sub3A_236, %div3A_234 : vector<16xf32>
    %swap3A_238 = arith.constant 1 : i32
    %swap3A_239 = arith.index_cast %swap3A_238 : i32 to index
    %swap3A_240 = arith.constant 32 : index
    %swap3A_241 = tpu.vector_load %arg5[%swap3A_239, %swap3A_240] {strides = array<i32>} : memref<2x128xf32, #tpu.memory_space<vmem>>, vector<1x16xf32>,
    %swap3A_242 = vector.shape_cast %swap3A_241 : vector<1x16xf32> to vector<16xf32>
    %swap3A_243 = vector.shape_cast %sub3A_237 : vector<16xf32> to vector<1x16xf32>
    tpu.vector_store %arg5[%swap3A_239, %swap3A_240], %swap3A_243 {strides = array<i32>} : memref<2x128xf32, #tpu.memory_space<vmem>>, vector<1x16xf32>,
    %mul3A_244 = arith.constant 2.000000e+00 : f32
    %mul3A_245 = vector.broadcast %mul3A_244 : f32 to vector<16xf32>
    %mul3A_246 = arith.mulf %mul3A_245, %scan3A_37#11 : vector<16xf32>
    %exp3A_247 = math.exp %mul3A_246 : vector<16xf32>
    %add3A_248 = arith.constant 1.000000e+00 : f32
    %add3A_249 = vector.broadcast %add3A_248 : f32 to vector<16xf32>
    %add3A_250 = arith.addf %exp3A_247, %add3A_249 : vector<16xf32>
    %div3A_251 = arith.constant 2.000000e+00 : f32
    %div3A_252 = vector.broadcast %div3A_251 : f32 to vector<16xf32>
    %div3A_253 = arith.divf %div3A_252, %add3A_250 : vector<16xf32>
    %sub3A_254 = arith.constant 1.000000e+00 : f32
    %sub3A_255 = vector.broadcast %sub3A_254 : f32 to vector<16xf32>
    %sub3A_256 = arith.subf %sub3A_255, %div3A_253 : vector<16xf32>
    %swap3A_257 = arith.constant 1 : i32
    %swap3A_258 = arith.index_cast %swap3A_257 : i32 to index
    %swap3A_259 = arith.constant 48 : index
    %swap3A_260 = tpu.vector_load %arg5[%swap3A_258, %swap3A_259] {strides = array<i32>} : memref<2x128xf32, #tpu.memory_space<vmem>>, vector<1x16xf32>,
    %swap3A_261 = vector.shape_cast %swap3A_260 : vector<1x16xf32> to vector<16xf32>
    %swap3A_262 = vector.shape_cast %sub3A_256 : vector<16xf32> to vector<1x16xf32>
    tpu.vector_store %arg5[%swap3A_258, %swap3A_259], %swap3A_262 {strides = array<i32>} : memref<2x128xf32, #tpu.memory_space<vmem>>, vector<1x16xf32>,
    %mul3A_263 = arith.constant 2.000000e+00 : f32
    %mul3A_264 = vector.broadcast %mul3A_263 : f32 to vector<16xf32>
    %mul3A_265 = arith.mulf %mul3A_264, %scan3A_37#12 : vector<16xf32>
    %exp3A_266 = math.exp %mul3A_265 : vector<16xf32>
    %add3A_267 = arith.constant 1.000000e+00 : f32
    %add3A_268 = vector.broadcast %add3A_267 : f32 to vector<16xf32>
    %add3A_269 = arith.addf %exp3A_266, %add3A_268 : vector<16xf32>
    %div3A_270 = arith.constant 2.000000e+00 : f32
    %div3A_271 = vector.broadcast %div3A_270 : f32 to vector<16xf32>
    %div3A_272 = arith.divf %div3A_271, %add3A_269 : vector<16xf32>
    %sub3A_273 = arith.constant 1.000000e+00 : f32
    %sub3A_274 = vector.broadcast %sub3A_273 : f32 to vector<16xf32>
    %sub3A_275 = arith.subf %sub3A_274, %div3A_272 : vector<16xf32>
    %swap3A_276 = arith.constant 1 : i32
    %swap3A_277 = arith.index_cast %swap3A_276 : i32 to index
    %swap3A_278 = arith.constant 64 : index
    %swap3A_279 = tpu.vector_load %arg5[%swap3A_277, %swap3A_278] {strides = array<i32>} : memref<2x128xf32, #tpu.memory_space<vmem>>, vector<1x16xf32>,
    %swap3A_280 = vector.shape_cast %swap3A_279 : vector<1x16xf32> to vector<16xf32>
    %swap3A_281 = vector.shape_cast %sub3A_275 : vector<16xf32> to vector<1x16xf32>
    tpu.vector_store %arg5[%swap3A_277, %swap3A_278], %swap3A_281 {strides = array<i32>} : memref<2x128xf32, #tpu.memory_space<vmem>>, vector<1x16xf32>,
    %mul3A_282 = arith.constant 2.000000e+00 : f32
    %mul3A_283 = vector.broadcast %mul3A_282 : f32 to vector<16xf32>
    %mul3A_284 = arith.mulf %mul3A_283, %scan3A_37#13 : vector<16xf32>
    %exp3A_285 = math.exp %mul3A_284 : vector<16xf32>
    %add3A_286 = arith.constant 1.000000e+00 : f32
    %add3A_287 = vector.broadcast %add3A_286 : f32 to vector<16xf32>
    %add3A_288 = arith.addf %exp3A_285, %add3A_287 : vector<16xf32>
    %div3A_289 = arith.constant 2.000000e+00 : f32
    %div3A_290 = vector.broadcast %div3A_289 : f32 to vector<16xf32>
    %div3A_291 = arith.divf %div3A_290, %add3A_288 : vector<16xf32>
    %sub3A_292 = arith.constant 1.000000e+00 : f32
    %sub3A_293 = vector.broadcast %sub3A_292 : f32 to vector<16xf32>
    %sub3A_294 = arith.subf %sub3A_293, %div3A_291 : vector<16xf32>
    %swap3A_295 = arith.constant 1 : i32
    %swap3A_296 = arith.index_cast %swap3A_295 : i32 to index
    %swap3A_297 = arith.constant 80 : index
    %swap3A_298 = tpu.vector_load %arg5[%swap3A_296, %swap3A_297] {strides = array<i32>} : memref<2x128xf32, #tpu.memory_space<vmem>>, vector<1x16xf32>,
    %swap3A_299 = vector.shape_cast %swap3A_298 : vector<1x16xf32> to vector<16xf32>
    %swap3A_300 = vector.shape_cast %sub3A_294 : vector<16xf32> to vector<1x16xf32>
    tpu.vector_store %arg5[%swap3A_296, %swap3A_297], %swap3A_300 {strides = array<i32>} : memref<2x128xf32, #tpu.memory_space<vmem>>, vector<1x16xf32>,
    %mul3A_301 = arith.constant 2.000000e+00 : f32
    %mul3A_302 = vector.broadcast %mul3A_301 : f32 to vector<16xf32>
    %mul3A_303 = arith.mulf %mul3A_302, %scan3A_37#14 : vector<16xf32>
    %exp3A_304 = math.exp %mul3A_303 : vector<16xf32>
    %add3A_305 = arith.constant 1.000000e+00 : f32
    %add3A_306 = vector.broadcast %add3A_305 : f32 to vector<16xf32>
    %add3A_307 = arith.addf %exp3A_304, %add3A_306 : vector<16xf32>
    %div3A_308 = arith.constant 2.000000e+00 : f32
    %div3A_309 = vector.broadcast %div3A_308 : f32 to vector<16xf32>
    %div3A_310 = arith.divf %div3A_309, %add3A_307 : vector<16xf32>
    %sub3A_311 = arith.constant 1.000000e+00 : f32
    %sub3A_312 = vector.broadcast %sub3A_311 : f32 to vector<16xf32>
    %sub3A_313 = arith.subf %sub3A_312, %div3A_310 : vector<16xf32>
    %swap3A_314 = arith.constant 1 : i32
    %swap3A_315 = arith.index_cast %swap3A_314 : i32 to index
    %swap3A_316 = arith.constant 96 : index
    %swap3A_317 = tpu.vector_load %arg5[%swap3A_315, %swap3A_316] {strides = array<i32>} : memref<2x128xf32, #tpu.memory_space<vmem>>, vector<1x16xf32>,
    %swap3A_318 = vector.shape_cast %swap3A_317 : vector<1x16xf32> to vector<16xf32>
    %swap3A_319 = vector.shape_cast %sub3A_313 : vector<16xf32> to vector<1x16xf32>
    tpu.vector_store %arg5[%swap3A_315, %swap3A_316], %swap3A_319 {strides = array<i32>} : memref<2x128xf32, #tpu.memory_space<vmem>>, vector<1x16xf32>,
    %mul3A_320 = arith.constant 2.000000e+00 : f32
    %mul3A_321 = vector.broadcast %mul3A_320 : f32 to vector<16xf32>
    %mul3A_322 = arith.mulf %mul3A_321, %scan3A_37#15 : vector<16xf32>
    %exp3A_323 = math.exp %mul3A_322 : vector<16xf32>
    %add3A_324 = arith.constant 1.000000e+00 : f32
    %add3A_325 = vector.broadcast %add3A_324 : f32 to vector<16xf32>
    %add3A_326 = arith.addf %exp3A_323, %add3A_325 : vector<16xf32>
    %div3A_327 = arith.constant 2.000000e+00 : f32
    %div3A_328 = vector.broadcast %div3A_327 : f32 to vector<16xf32>
    %div3A_329 = arith.divf %div3A_328, %add3A_326 : vector<16xf32>
    %sub3A_330 = arith.constant 1.000000e+00 : f32
    %sub3A_331 = vector.broadcast %sub3A_330 : f32 to vector<16xf32>
    %sub3A_332 = arith.subf %sub3A_331, %div3A_329 : vector<16xf32>
    %swap3A_333 = arith.constant 1 : i32
    %swap3A_334 = arith.index_cast %swap3A_333 : i32 to index
    %swap3A_335 = arith.constant 112 : index
    %swap3A_336 = tpu.vector_load %arg5[%swap3A_334, %swap3A_335] {strides = array<i32>} : memref<2x128xf32, #tpu.memory_space<vmem>>, vector<1x16xf32>,
    %swap3A_337 = vector.shape_cast %swap3A_336 : vector<1x16xf32> to vector<16xf32>
    %swap3A_338 = vector.shape_cast %sub3A_332 : vector<16xf32> to vector<1x16xf32>
    tpu.vector_store %arg5[%swap3A_334, %swap3A_335], %swap3A_338 {strides = array<i32>} : memref<2x128xf32, #tpu.memory_space<vmem>>, vector<1x16xf32>,
    "tpu.region"() ({
      %run_scoped3A = tpu.sem_alloc : memref<!tpu.dma_semaphore, #tpu.memory_space<semaphore_mem>>
      %dma_start3A = arith.constant 0 : i32
      %dma_start3A_339 = tpu.memref_slice %arg3[%mul3A_2, %dma_start3A] : memref<64x128xf32, #tpu.memory_space<hbm>> -> memref<2x128xf32, #tpu.memory_space<hbm>>
      %dma_start3A_340 = arith.constant 0 : i32
      %dma_start3A_341 = tpu.memref_slice %arg3[%mul3A_2, %dma_start3A_340] : memref<64x128xf32, #tpu.memory_space<hbm>> -> memref<2x128xf32, #tpu.memory_space<hbm>>
      tpu.enqueue_dma source(%arg5 : memref<2x128xf32, #tpu.memory_space<vmem>>) target(%dma_start3A_341 : memref<2x128xf32, #tpu.memory_space<hbm>>) target_semaphore(%run_scoped3A : memref<!tpu.dma_semaphore, #tpu.memory_space<semaphore_mem>>)
      %dma_wait3A = arith.constant 0 : i32
      %dma_wait3A_342 = tpu.memref_slice %arg3[%mul3A_2, %dma_wait3A] : memref<64x128xf32, #tpu.memory_space<hbm>> -> memref<2x128xf32, #tpu.memory_space<hbm>>
      %dma_wait3A_343 = arith.constant 0 : i32
      %dma_wait3A_344 = tpu.memref_slice %arg3[%mul3A_2, %dma_wait3A_343] : memref<64x128xf32, #tpu.memory_space<hbm>> -> memref<2x128xf32, #tpu.memory_space<hbm>>
      tpu.wait_dma2 semaphore(%run_scoped3A : memref<!tpu.dma_semaphore, #tpu.memory_space<semaphore_mem>>) src(%arg5 : memref<2x128xf32, #tpu.memory_space<vmem>>) dst(%dma_wait3A_344 : memref<2x128xf32, #tpu.memory_space<hbm>>)
      tpu.yield
    }) : () -> ()
    return
  }
}

module attributes {stable_mosaic.version = 14 : i64} {
  func.func @_tc_body(%arg0: i32, %arg1: memref<5000x128xf32, #tpu.memory_space<vmem>>, %arg2: memref<1x1x5000xi32, #tpu.memory_space<vmem>>, %arg3: memref<128x128xf32, #tpu.memory_space<vmem>>, %arg4: memref<1x128xf32, #tpu.memory_space<vmem>>, %arg5: memref<1x64x128xf32, #tpu.memory_space<vmem>>) attributes {dimension_semantics = [#tpu.dimension_semantics<arbitrary>], iteration_bounds = array<i64: 20>, scalar_prefetch = 0 : i64, scratch_operands = 0 : i64, tpu.core_type = #tpu.core_type<tc>, window_params = [{transform_indices = @transform_0, window_bounds = array<i64: 5000, 128>}, {transform_indices = @transform_1, window_bounds = array<i64: 1, 1, 5000>}, {pipeline_mode = #tpu.pipeline_mode<synchronous>, transform_indices = @transform_2, window_bounds = array<i64: 128, 128>}, {pipeline_mode = #tpu.pipeline_mode<synchronous>, transform_indices = @transform_3, window_bounds = array<i64: 1, 128>}, {transform_indices = @transform_4, window_bounds = array<i64: 1, 64, 128>}]} {
    %get3A = arith.constant 0 : index
    %get3A_0 = arith.constant 0 : index
    %get3A_1 = vector.load %arg1[%get3A, %get3A_0] : memref<5000x128xf32, #tpu.memory_space<vmem>>, vector<5000x128xf32>
    %get3A_2 = arith.constant 0 : index
    %get3A_3 = arith.constant 0 : index
    %get3A_4 = vector.load %arg3[%get3A_2, %get3A_3] : memref<128x128xf32, #tpu.memory_space<vmem>>, vector<128x128xf32>
    %dot_general3A = arith.constant dense<0.000000e+00> : vector<5000x128xf32>
    %dot_general3A_5 = tpu.matmul %get3A_1, %get3A_4, %dot_general3A {dimension_numbers = #tpu.dot_dimension_numbers<[1], [1], [0], [0], [0, 0, 1, 0], [], []>, transpose_lhs_hint = false} : vector<5000x128xf32>, vector<128x128xf32>, vector<5000x128xf32> -> vector<5000x128xf32>
    %get3A_6 = arith.constant 0 : index
    %get3A_7 = arith.constant 0 : index
    %get3A_8 = vector.load %arg4[%get3A_6, %get3A_7] : memref<1x128xf32, #tpu.memory_space<vmem>>, vector<1x128xf32>
    %add3A = vector.broadcast %get3A_8 : vector<1x128xf32> to vector<5000x128xf32>
    %add3A_9 = arith.addf %dot_general3A_5, %add3A : vector<5000x128xf32>
    %min3A = arith.constant 0.000000e+00 : f32
    %min3A_10 = vector.broadcast %min3A : f32 to vector<5000x128xf32>
    %min3A_11 = arith.minimumf %add3A_9, %min3A_10 : vector<5000x128xf32>
    %exp3A = math.exp %min3A_11 : vector<5000x128xf32>
    %sub3A = arith.constant 1.000000e+00 : f32
    %sub3A_12 = vector.broadcast %sub3A : f32 to vector<5000x128xf32>
    %sub3A_13 = arith.subf %exp3A, %sub3A_12 : vector<5000x128xf32>
    %mul3A = arith.constant 1.67326319 : f32
    %mul3A_14 = vector.broadcast %mul3A : f32 to vector<5000x128xf32>
    %mul3A_15 = arith.mulf %mul3A_14, %sub3A_13 : vector<5000x128xf32>
    %gt3A = arith.constant 0.000000e+00 : f32
    %gt3A_16 = vector.broadcast %gt3A : f32 to vector<5000x128xf32>
    %gt3A_17 = arith.cmpf ogt, %add3A_9, %gt3A_16 : vector<5000x128xf32>
    %select_n3A = arith.select %gt3A_17, %add3A_9, %mul3A_15 : vector<5000x128xi1>, vector<5000x128xf32>
    %mul3A_18 = arith.constant 1.05070102 : f32
    %mul3A_19 = vector.broadcast %mul3A_18 : f32 to vector<5000x128xf32>
    %mul3A_20 = arith.mulf %mul3A_19, %select_n3A : vector<5000x128xf32>
    %get3A_21 = arith.constant 0 : index
    %get3A_22 = arith.constant 0 : index
    %get3A_23 = arith.constant 0 : index
    %get3A_24 = vector.load %arg2[%get3A_21, %get3A_22, %get3A_23] : memref<1x1x5000xi32, #tpu.memory_space<vmem>>, vector<1x1x5000xi32>
    %get3A_25 = vector.shape_cast %get3A_24 : vector<1x1x5000xi32> to vector<5000xi32>
    %iota3A = tpu.iota {dimensions = array<i32: 1>} : vector<5000x64xi32>
    %broadcast_in_dim3A = vector.shape_cast %get3A_25 : vector<5000xi32> to vector<5000x1xi32>
    %eq3A = vector.broadcast %broadcast_in_dim3A : vector<5000x1xi32> to vector<5000x64xi32>
    %eq3A_26 = arith.cmpi eq, %eq3A, %iota3A : vector<5000x64xi32>
    %convert_element_type3A = arith.extui %eq3A_26 : vector<5000x64xi1> to vector<5000x64xi32>
    %convert_element_type3A_27 = arith.sitofp %convert_element_type3A : vector<5000x64xi32> to vector<5000x64xf32>
    %dot_general3A_28 = arith.constant dense<0.000000e+00> : vector<64x128xf32>
    %dot_general3A_29 = tpu.matmul %convert_element_type3A_27, %mul3A_20, %dot_general3A_28 {dimension_numbers = #tpu.dot_dimension_numbers<[0], [0], [1], [1], [0, 1, 1, 1], [], []>, transpose_lhs_hint = false} : vector<5000x64xf32>, vector<5000x128xf32>, vector<64x128xf32> -> vector<64x128xf32>
    %swap3A = arith.constant 0 : index
    %swap3A_30 = arith.constant 0 : index
    %swap3A_31 = arith.constant 0 : index
    %swap3A_32 = vector.load %arg5[%swap3A, %swap3A_30, %swap3A_31] : memref<1x64x128xf32, #tpu.memory_space<vmem>>, vector<1x64x128xf32>
    %swap3A_33 = vector.shape_cast %swap3A_32 : vector<1x64x128xf32> to vector<64x128xf32>
    %swap3A_34 = vector.shape_cast %dot_general3A_29 : vector<64x128xf32> to vector<1x64x128xf32>
    tpu.vector_store %arg5[%swap3A, %swap3A_30, %swap3A_31], %swap3A_34 {strides = array<i32>} : memref<1x64x128xf32, #tpu.memory_space<vmem>>, vector<1x64x128xf32>,
    return
  }
  func.func @transform_0(%arg0: i32) -> (i32, i32) {
    %c0_i32 = arith.constant 0 : i32
    %c0_i32_0 = arith.constant 0 : i32
    return %arg0, %c0_i32 : i32, i32
  }
  func.func @transform_1(%arg0: i32) -> (i32, i32, i32) {
    %c0_i32 = arith.constant 0 : i32
    %c0_i32_0 = arith.constant 0 : i32
    %c0_i32_1 = arith.constant 0 : i32
    return %arg0, %c0_i32, %c0_i32_0 : i32, i32, i32
  }
  func.func @transform_2(%arg0: i32) -> (i32, i32) {
    %c0_i32 = arith.constant 0 : i32
    %c0_i32_0 = arith.constant 0 : i32
    %c0_i32_1 = arith.constant 0 : i32
    return %c0_i32, %c0_i32_0 : i32, i32
  }
  func.func @transform_3(%arg0: i32) -> (i32, i32) {
    %c0_i32 = arith.constant 0 : i32
    %c0_i32_0 = arith.constant 0 : i32
    %c0_i32_1 = arith.constant 0 : i32
    return %c0_i32, %c0_i32_0 : i32, i32
  }
  func.func @transform_4(%arg0: i32) -> (i32, i32, i32) {
    %c0_i32 = arith.constant 0 : i32
    %c0_i32_0 = arith.constant 0 : i32
    %c0_i32_1 = arith.constant 0 : i32
    return %arg0, %c0_i32, %c0_i32_0 : i32, i32, i32
  }
}

</mosaic_0001>

<sc_bundles>
// kernel: kernel.4.cloned.1.call-start
scs
__scs_entry_jumppad:
0x0: {  	(pc) =	sbr.rel $0x88, $3  }
0x1: {  	(tag) =	ssettag $0x0;
	lr =	simm.s32 $0x1  }
0x2: {  	[smem:$0x3F9D] =	sst lr;
	_ =	strace $0xD0000000  }
0x3: {  	_ = 	snop  }
0x4: {  	_ = 	snop  }
0x5: {  	_ = 	snop  }
0x6: {  	_ = 	snop  }
0x7: {  	_ = 	snop  }
__scs_overlays_trampoline_lowered:
0x8: {  	[smem:$0x3FAC] =	sst s0  }
0x9: {  	[smem:$0x3FAD] =	sst s1  }
0xa: {  	[smem:$0x3FAE] =	sst s2  }
0xb: {  	[smem:$0x3FAF] =	sst s3  }
0xc: {  	[smem:$0x3FB0] =	sst s4  }
0xd: {  	[smem:$0x3FB1] =	sst s5  }
0xe: {  	[smem:$0x3FB2] =	sst s6  }
0xf: {  	[smem:$0x3FB3] =	sst s7  }
0x10: {  	[smem:$0x3FB4] =	sst s8  }
0x11: {  	[smem:$0x3FB5] =	sst s9;
	s0 =	simm.s32 @!p0 $0x0  }
0x12: {  	s1 =	sld [smem:$0x3F9B];
	s0 =	simm.s32 @p0 $0x1  }
0x13: {  	[smem:$0x3FB6] =	sst s0;
	s0 =	simm.s32 @!p1 $0x0  }
0x14: {  	s2 =	sld [smem:$0x3F9A];
	s0 =	simm.s32 @p1 $0x1  }
0x15: {  	[smem:$0x3FB7] =	sst s0;
	s0 =	simm.s32 @!p2 $0x0  }
0x16: {  	s3 =	sld [smem:$0x3FDB];
	s0 =	simm.s32 @p2 $0x1  }
0x17: {  	s4 =	simm.s32 $0x1BF5;
	[smem:$0x3FB9] =	sst s0  }
0x18: {  	s0 =	sld [smem:$0x3F9C];
	_ =	swait.ge [sflag:s4], $0x0  }
0x19: {  	s7 =	sld [smem:$0x3F9D]  }
0x1a: {  	s8 =	sadd.s32 $0xFFFFE003, lr  }
0x1b: {  	s9 =	sadd.s32 $0xFFFFFEF7, lr;
	s5 =	simm.s32 $0xFFFFFFFF;
	p2 =	slt.u32 s8, $0xFFFFF086  }
0x1c: {  	p1 =	slt.u32 s9, $0xF7A;
	s5 =	simm.s32 @!p2 $0x0  }
0x1d: {  	s5 =	simm.s32 @p1 $0x1;
	p0 =	seq.s32 s7, s2  }
0x1e: {  	s7 =	smul.u32 @!p0 $0xF7A, s2;
	p2 =	seq.s32 @!p0 s5, $0x0  }
0x1f: {  	s9 =	smul.u32 $0xF7A, s1;
	s8 =	simm.s32 @!p0 $0x1BF5;
	p2 =	por !p2, p0  }
0x20: {  	[sflag:s8] =	ssyncset.s32 @!p0 $0xFFFFF086;
	s6 =	sadd.s32 @!p0 s3, s7;
	s7 =	simm.s32 @!p0 $0x108  }
0x21: {  	s3 =	sadd.s32 s3, s9;
	s6 =	sadd.s32 @!p0 $0x88, s6;
	s7 =	simm.s32 @p2 $0x1082  }
0x22: {  	[simem:s7], [sflag:s8] =	dma.local @!p0 [hbm:s6], $0xF7A  }
0x23: {  	s9 =	sor.u32 $0xD0000000, s2;
	s6 =	simm.s32 $0x108;
	_ =	swait.ge @!p0 [sflag:s8], $0x0  }
0x24: {  	s3 =	sadd.s32 $0x88, s3;
	s6 =	simm.s32 @!p1 $0x1082;
	[sflag:s4] =	ssyncset.s32 $0xFFFFF086  }
0x25: {  	[simem:s6], [sflag:s4] =	dma.local [hbm:s3], $0xF7A  }
0x26: {  	[smem:$0x3F9D] =	sst s1;
	(tag) =	ssettag s2;
	_ =	strace s9  }
0x27: {  	s1 =	sld [smem:$0x3FAD]  }
0x28: {  	s2 =	sld [smem:$0x3FAE]  }
0x29: {  	s4 =	sld [smem:$0x3FB0]  }
0x2a: {  	p0 =	seq.s32 s5, $0x0;
	s5 =	sld [smem:$0x3FB1]  }
0x2b: {  	s6 =	sld [smem:$0x3FB2]  }
0x2c: {  	s7 =	sld [smem:$0x3FB3]  }
0x2d: {  	s3 =	simm.s32 $0x108;
	s8 =	sld [smem:$0x3FB4]  }
0x2e: {  	s3 =	simm.s32 @!p0 $0x1082;
	s9 =	sld [smem:$0x3FB5]  }
0x2f: {  	lr =	sadd.s32 s0, s3;
	s0 =	sld [smem:$0x3FAC]  }
0x30: {  	s3 =	sld [smem:$0x3FAF]  }
0x31: {  	[smem:$0x3FB8] =	sst s10  }
0x32: {  	s10 =	sld [smem:$0x3FB6];
	_ =	sdelay $0x3  }
0x33: {  	p0 =	seq.s32 s10, $0x1;
	s10 =	sld [smem:$0x3FB8];
	_ =	sdelay $0x3  }
0x34: {  	[smem:$0x3FB8] =	sst s10  }
0x35: {  	s10 =	sld [smem:$0x3FB7];
	_ =	sdelay $0x3  }
0x36: {  	p1 =	seq.s32 s10, $0x1;
	s10 =	sld [smem:$0x3FB8];
	_ =	sdelay $0x3  }
0x37: {  	[smem:$0x3FB8] =	sst s10  }
0x38: {  	s10 =	sld [smem:$0x3FB9]  }
0x39: {  	_ = 	snop;
	(pc) =	sbr.ind lr, $3  }
0x3a: {  	_ = 	snop  }
0x3b: {  	_ = 	snop  }
0x3c: {  	p2 =	seq.s32 s10, $0x1;
	s10 =	sld [smem:$0x3FB8]  }
0x3d: {  	_ =	shalt  }
0x3e: {  	_ =	shalt  }
0x3f: {  	_ =	shalt  }
0x40: {  	_ =	shalt  }
0x41: {  	_ =	shalt  }
0x42: {  	_ =	shalt  }
0x43: {  	_ =	shalt  }
0x44: {  	_ =	shalt  }
0x45: {  	_ =	shalt  }
0x46: {  	_ =	shalt  }
0x47: {  	_ =	shalt  }
0x48: {  	_ =	shalt  }
0x49: {  	_ =	shalt  }
0x4a: {  	_ =	shalt  }
0x4b: {  	_ =	shalt  }
0x4c: {  	_ =	shalt  }
0x4d: {  	_ =	shalt  }
0x4e: {  	_ =	shalt  }
0x4f: {  	_ =	shalt  }
0x50: {  	_ =	shalt  }
0x51: {  	_ =	shalt  }
0x52: {  	_ =	shalt  }
0x53: {  	_ =	shalt  }
0x54: {  	_ =	shalt  }
0x55: {  	_ =	shalt  }
0x56: {  	_ =	shalt  }
0x57: {  	_ =	shalt  }
0x58: {  	_ =	shalt  }
0x59: {  	_ =	shalt  }
0x5a: {  	_ =	shalt  }
0x5b: {  	_ =	shalt  }
0x5c: {  	_ =	shalt  }
0x5d: {  	_ =	shalt  }
0x5e: {  	_ =	shalt  }
0x5f: {  	_ =	shalt  }
0x60: {  	_ =	shalt  }
0x61: {  	_ =	shalt  }
0x62: {  	_ =	shalt  }
0x63: {  	_ =	shalt  }
0x64: {  	_ =	shalt  }
0x65: {  	_ =	shalt  }
0x66: {  	_ =	shalt  }
0x67: {  	_ =	shalt  }
0x68: {  	_ =	shalt  }
0x69: {  	_ =	shalt  }
0x6a: {  	_ =	shalt  }
0x6b: {  	_ =	shalt  }
0x6c: {  	_ =	shalt  }
0x6d: {  	_ =	shalt  }
0x6e: {  	_ =	shalt  }
0x6f: {  	_ =	shalt  }
0x70: {  	_ =	shalt  }
0x71: {  	_ =	shalt  }
0x72: {  	_ =	shalt  }
0x73: {  	_ =	shalt  }
0x74: {  	_ =	shalt  }
0x75: {  	_ =	shalt  }
0x76: {  	_ =	shalt  }
0x77: {  	_ =	shalt  }
0x78: {  	_ =	shalt  }
0x79: {  	_ =	shalt  }
0x7a: {  	_ =	shalt  }
0x7b: {  	_ =	shalt  }
0x7c: {  	_ =	shalt  }
0x7d: {  	_ =	shalt  }
0x7e: {  	_ =	shalt  }
0x7f: {  	_ =	shalt  }
0x80: {  	_ =	shalt  }
0x81: {  	_ =	shalt  }
0x82: {  	_ =	shalt  }
0x83: {  	_ =	shalt  }
0x84: {  	_ =	shalt  }
0x85: {  	_ =	shalt  }
0x86: {  	_ =	shalt  }
0x87: {  	_ =	shalt  }
.Lfunc_end0:
.L_simem_size_0:
called_computation_lowered:
.L_overlay_start_0:
0x88: {  	s2 =	sld [smem:$0x3FD9]  }
0x89: {  	s3 =	sld [smem:$0x3FFE];
	_ =	sdelay $0x1  }
0x8a: {  	s1 =	srdreg.scid  }
0x8b: {  	s0 =	sand.u32 $0x1, s1  }
0x8c: {  	s17 =	sshll.u32 s0, $0xA;
	s2 =	sadd.s32 s3, s2  }
0x8d: {  	s2 =	sadd.s32 s2, s17  }
0x8e: {  	[smem:$0x3FC4] =	sst s2  }
0x8f: {  	_ = 	snop  }
0x90: {  	s2 =	sld [smem:$0x3FD0];
	(tm) =	ssettm $0x1  }
0x91: {  	s18 =	sld [smem:$0x3FFB];
	_ =	sdelay $0x3  }
0x92: {  	_ =	strace s18  }
0x93: {  	s3 =	sld [smem:$0x3FFC];
	_ =	sdelay $0x3  }
0x94: {  	_ =	strace s3  }
0x95: {  	s3 =	sld [smem:$0x3FFD];
	_ =	sdelay $0x3  }
0x96: {  	_ =	strace s3  }
0x97: {  	_ =	strace $0x8FFFFFFF  }
0x98: {  	s19 =	sld [smem:$0x3FDB];
	_ =	sdelay $0x1  }
0x99: {  	s4 =	simm.s32 $_scs_section_size  }
0x9a: {  	s5 =	simm.s32 $_size__tile_overlayer_lowered;
	s6 =	simm.s32 $_tile_overlayer_lowered  }
0x9b: {  	s22 =	simm.s32 $0x1BFF;
	s21 =	sshll.u32 s6, $0x1;
	s3 =	sadd.s32 s4, s19  }
0x9c: {  	s7 =	simm.s32 $0x0;
	s20 =	sshll.u32 s5, $0x1;
	s5 =	sadd.s32 s21, s3  }
0x9d: {  	[timem:s7], [sflag:s22] =	dma.local [hbm:s5], s20  }
0x9e: {  	_ =	swait.ge [sflag:s22], s20  }
0x9f: {  	s4 =	ssub.s32 $0x0, s20;
	[sflag:s22] =	ssyncset.done $0x0  }
0xa0: {  	[sflag:s22] =	ssyncadd.s32 s4;
	_ =	sdelay $0x1  }
0xa1: {  	s23 =	simm.s32 $0x1B8B  }
0xa2: {  	_ =	swait.ge [sflag:s23], $0x1  }
0xa3: {  	[sflag:s23] =	ssyncset.done $0x0  }
0xa4: {  	s25 =	simm.s32 $0x1B8E;
	s24 =	sld [smem:$0x3FFE];
	[sflag:s23] =	ssyncadd.s32 $0xFFFFFFFF  }
0xa5: {  	s26 =	simm.s32 $execute0_lowered;
	[smem:$0x3FD2] =	sst s25  }
0xa6: {  	s5 =	sshll.u32 s26, $0x1;
	_ =	strace $0x80000046;
	[dreg:$0x1] =	wrdreg $0xFFFFFFFF  }
0xa7: {  	s28 =	simm.s32 $_size_execute0_lowered;
	s3 =	sadd.s32 s3, s5;
	[dreg:$0x0] =	wrdreg $0x0  }
0xa8: {  	s5 =	sshll.u32 s28, $0x1;
	[dreg:$0x2] =	wrdreg s3  }
0xa9: {  	[dreg:$0x3] =	wrdreg s5  }
0xaa: {  	[dreg:$0x4] =	wrdreg $0xC0  }
0xab: {  	_ =	task [dreg:s7], $0x5FFFF  }
0xac: {  	[dreg:$0x1] =	wrdreg $0xFFFFFFFF  }
0xad: {  	[dreg:$0x0] =	wrdreg $0x60  }
0xae: {  	[dreg:$0x2] =	wrdreg s24  }
0xaf: {  	[dreg:$0x3] =	wrdreg s2  }
0xb0: {  	[dreg:$0x4] =	wrdreg $0x9  }
0xb1: {  	_ =	task.clear_ibuf [dreg:s7], $0x5FFFF;
	_ =	strace $0x90000046  }
0xb2: {  	s29 =	simm.s32 $0x9;
	_ =	strace $0x80000048  }
0xb3: {  	_ =	swait.ge [sflag:s29], $0x1  }
0xb4: {  	[sflag:s29] =	ssyncadd.s32 $0xFFFFFFFF  }
0xb5: {  	_ =	strace $0x90000048  }
0xb6: {  	_ =	sfence  }
0xb7: {  	s30 =	sld [smem:$0x0];
	_ =	sdelay $0x2  }
0xb8: {  	s31 =	sshll.u32 s1, $0xD;
	s1 =	sshrl.u32 s1, $0x2  }
0xb9: {  	s3 =	sand.u32 $0x4000, s31;
	s1 =	sadd.s32 s1, s30  }
0xba: {  	s0 =	sor.u32 s3, s0;
	s1 =	sshll.u32 s1, $0x11  }
0xbb: {  	s0 =	sor.u32 s1, s0  }
0xbc: {  	s0 =	sadd.s32 $0x8F2B, s0  }
0xbd: {  	[sflag:s0] =	ssyncadd.remote.s32 $0x1  }
0xbe: {  	_ =	sfence.sel $0xFFFF  }
0xbf: {  	[dreg:$0x0] =	wrdreg $0xFFFFFFFF;
	(pc) =	sbr.abs _section_cstart, $3  }
0xc0: {  	[dreg:$0x1] =	wrdreg $0xFFFFFFFF  }
0xc1: {  	_ =	task.clear_ibuf [dreg:s7], $0x2FFFF;
	_ =	strace $0x9FFFFFFF  }
0xc2: {  	(tm) =	ssettm $0x7FFFFFFF  }
0xc3: {  	_ =	shalt  }
tec
execute0_lowered:
.L_overlay_start_1:
0x0: {  	(tag) =	ssettag $0x1  }
0x1: {  	s3 =	rddreg [dreg:$0x0]  }
0x2: {  	s4 =	rddreg [dreg:$0x1]  }
0x3: {  	s2 =	srdreg.scid;
	s0 =	rddreg [dreg:$0x2]  }
0x4: {  	s1 =	stileid.u32;
	s8 =	simm.s32 $0x1;
	s9 =	simm.s32 $0x1400  }
0x5: {  	s10 =	simm.s32 $0x0;
	s13 =	simm.s32 $0x0;
	s5 =	sand.u32 $0x1, s2  }
0x6: {  	s2 =	simm.s32 $0x0;
	s6 =	sshll.u32 s1, $0x6;
	s7 =	sshll.u32 s5, $0x5  }
0x7: {  	[smem:$0x7FF] =	sst s2;
	s5 =	ssub.s32 $0x2, s5;
	s6 =	sor.u32 s7, s6  }
0x8: {  	_ =	strace $0x80000047;
	s31 =	sshrl.u32 s5, $0x1;
	s7 =	simm.s32 $0x2000  }
0x9: {  	s3 =	sadd.s32 s6, s3;
	s5 =	ssub.s32 s5, s31;
	s4 =	sadd.s32 s4, s6  }
0xa: {  	s6 =	simm.s32 $0x100;
	s3 =	sadd.s32 $0xA00, s3;
	s5 =	smax.u32 s5, $0x1  }
.LBB2_1:
0xb: {  	[tilespmem:s2], [sflag:$0x1] =	stream.strided.gather [hbm4b:s3+s6], $0x1400, s7, s6, $0x38;
	[tilespmem:$0x1500] =	vst v63  }
0xc: {  	_ =	swait.ge [sflag:s8], $0x1400  }
0xd: {  	[sflag:s8] =	ssyncset.done $0x0  }
0xe: {  	[sflag:s8] =	ssyncadd.s32 $0xFFFFEC00  }
0xf: {  	v0 =	vld [tilespmem:s13+$0xF0]  }
0x10: {  	v1 =	vld [tilespmem:s13+$0x0]  }
0x11: {  	v2 =	vld [tilespmem:s13+$0x10]  }
0x12: {  	v4 =	vld [tilespmem:s13+$0x20]  }
0x13: {  	v5 =	vld [tilespmem:s13+$0x30]  }
0x14: {  	v6 =	vld [tilespmem:s13+$0x40]  }
0x15: {  	v7 =	vld [tilespmem:s13+$0x50]  }
0x16: {  	v8 =	vld [tilespmem:s13+$0x60]  }
0x17: {  	v9 =	vld [tilespmem:s13+$0x70]  }
0x18: {  	v3 =	vimm.f32 $0.0e+00;
	v10 =	vld [tilespmem:s13+$0x80]  }
0x19: {  	v21 =	vld [tilespmem:s13+$0x90];
	v0 =	vadd.f32 v0, v3  }
0x1a: {  	v20 =	vadd.f32 v1, v3;
	v19 =	vadd.f32 v2, v3  }
0x1b: {  	v14 =	vld [tilespmem:s13+$0xA0];
	v12 =	vadd.f32 v4, v3;
	v18 =	vadd.f32 v5, v3  }
0x1c: {  	v11 =	vld [tilespmem:s13+$0xB0];
	v17 =	vadd.f32 v6, v3;
	v16 =	vadd.f32 v7, v3  }
0x1d: {  	v15 =	vadd.f32 v8, v3;
	v13 =	vadd.f32 v9, v3;
	v9 =	vld [tilespmem:s13+$0xC0]  }
0x1e: {  	v10 =	vadd.f32 v10, v3;
	v7 =	vld [tilespmem:s13+$0xD0];
	v8 =	vadd.f32 v21, v3;
	v5 =	vimm.f32 $0.0e+00  }
0x1f: {  	s11 =	simm.s32 $0x100;
	s12 =	simm.s32 $0x800;
	v6 =	vld [tilespmem:s13+$0xE0];
	v4 =	vimm.f32 $0.0e+00;
	v2 =	vimm.f32 $0.0e+00;
	v1 =	vimm.f32 $0.0e+00  }
.LBB2_2:
0x20: {  	p0 =	sne.s32 s12, $0x4C00;
	v21 =	vld [tilespmem:s11+$0xF0];
	v3 =	vadd.f32 v14, v3  }
0x21: {  	v14 =	vld [tilespmem:s11+$0x0];
	v5 =	vadd.f32 v11, v5  }
0x22: {  	v11 =	vld [tilespmem:s11+$0x10];
	v4 =	vadd.f32 v9, v4  }
0x23: {  	v9 =	vld [tilespmem:s11+$0x20];
	v2 =	vadd.f32 v7, v2  }
0x24: {  	v7 =	vld [tilespmem:s11+$0x30];
	v1 =	vadd.f32 v6, v1  }
0x25: {  	v6 =	vld [tilespmem:s11+$0x40];
	v0 =	vadd.f32 v21, v0  }
0x26: {  	v20 =	vadd.f32 v14, v20;
	v14 =	vld [tilespmem:s11+$0x50]  }
0x27: {  	v19 =	vadd.f32 v11, v19;
	v11 =	vld [tilespmem:s11+$0x60]  }
0x28: {  	v12 =	vadd.f32 v9, v12;
	v9 =	vld [tilespmem:s11+$0x70]  }
0x29: {  	v18 =	vadd.f32 v7, v18;
	v7 =	vld [tilespmem:s11+$0x80]  }
0x2a: {  	v17 =	vadd.f32 v6, v17;
	v6 =	vld [tilespmem:s11+$0x90]  }
.Ltmp0:
0x2b: {  	v16 =	vadd.f32 v14, v16;
	v14 =	vld [tilespmem:s11+$0xA0];
	(pc) =	sbr.rel @p0 .LBB2_2-.Ltmp0, $4  }
0x2c: {  	v15 =	vadd.f32 v11, v15;
	v11 =	vld [tilespmem:s11+$0xB0]  }
0x2d: {  	v13 =	vadd.f32 v9, v13;
	v9 =	vld [tilespmem:s11+$0xC0]  }
0x2e: {  	v10 =	vadd.f32 v7, v10;
	v7 =	vld [tilespmem:s11+$0xD0]  }
0x2f: {  	v8 =	vadd.f32 v6, v8;
	v6 =	vld [tilespmem:s11+$0xE0];
	s11 =	sshra.s32 s12, $0x2;
	s12 =	sadd.s32 $0x400, s12  }
0x30: {  	v21 =	vld [tilespmem:s11+$0x0];
	_ =	sdelay $0x4  }
0x31: {  	v20 =	vadd.f32 v21, v20;
	_ =	sdelay $0x1  }
0x32: {  	v20 =	vadd.f32 v20, v20;
	_ =	sdelay $0x1  }
0x33: {  	v20 =	vmul.f32 $1.442695020e+00, v20;
	_ =	sdelay $0x1  }
0x34: {  	(erf) = vpow2.f32 v20;
	_ =	sdelay $0x1  }
0x35: {  	v38 =	vld [tilespmem:s11+$0x10];
	_ =	sdelay $0x4  }
0x36: {  	v19 =	vadd.f32 v38, v19;
	_ =	sdelay $0x1  }
0x37: {  	v19 =	vadd.f32 v19, v19;
	v39 =	vpop (erf)  }
0x38: {  	v20 =	vadd.f32 $1.000000000e+00, v39  }
0x39: {  	v19 =	vmul.f32 $1.442695020e+00, v19  }
0x3a: {  	(erf) = vrcp.f32 v20  }
0x3b: {  	(erf) = vpow2.f32 v19;
	_ =	sdelay $0x1  }
0x3c: {  	v40 =	vld [tilespmem:s11+$0x20];
	_ =	sdelay $0x4  }
0x3d: {  	v19 =	vadd.f32 v40, v12  }
0x3e: {  	v41 =	vpop (erf)  }
0x3f: {  	v19 =	vadd.f32 v19, v19;
	v42 =	vpop (erf)  }
0x40: {  	v20 =	vadd.f32 $1.000000000e+00, v42  }
0x41: {  	v19 =	vmul.f32 $1.442695020e+00, v19  }
0x42: {  	(erf) = vrcp.f32 v20  }
0x43: {  	(erf) = vpow2.f32 v19;
	_ =	sdelay $0x1  }
0x44: {  	v43 =	vld [tilespmem:s11+$0x30];
	_ =	sdelay $0x4  }
0x45: {  	v18 =	vadd.f32 v43, v18  }
0x46: {  	v44 =	vpop (erf)  }
0x47: {  	v18 =	vadd.f32 v18, v18;
	v45 =	vpop (erf)  }
0x48: {  	v20 =	vadd.f32 $1.000000000e+00, v45  }
0x49: {  	v18 =	vmul.f32 $1.442695020e+00, v18  }
0x4a: {  	(erf) = vrcp.f32 v20  }
0x4b: {  	(erf) = vpow2.f32 v18;
	_ =	sdelay $0x1  }
0x4c: {  	v46 =	vld [tilespmem:s11+$0x40];
	_ =	sdelay $0x4  }
0x4d: {  	v17 =	vadd.f32 v46, v17  }
0x4e: {  	v47 =	vpop (erf)  }
0x4f: {  	v17 =	vadd.f32 v17, v17;
	v48 =	vpop (erf)  }
0x50: {  	v20 =	vadd.f32 $1.000000000e+00, v48  }
0x51: {  	v17 =	vmul.f32 $1.442695020e+00, v17  }
0x52: {  	(erf) = vrcp.f32 v20  }
0x53: {  	(erf) = vpow2.f32 v17;
	_ =	sdelay $0x1  }
0x54: {  	v49 =	vld [tilespmem:s11+$0x50];
	_ =	sdelay $0x4  }
0x55: {  	v16 =	vadd.f32 v49, v16  }
0x56: {  	v50 =	vpop (erf)  }
0x57: {  	v16 =	vadd.f32 v16, v16;
	v51 =	vpop (erf)  }
0x58: {  	v20 =	vadd.f32 $1.000000000e+00, v51  }
0x59: {  	v16 =	vmul.f32 $1.442695020e+00, v16  }
0x5a: {  	(erf) = vrcp.f32 v20  }
0x5b: {  	(erf) = vpow2.f32 v16;
	_ =	sdelay $0x1  }
0x5c: {  	v52 =	vld [tilespmem:s11+$0x60];
	_ =	sdelay $0x4  }
0x5d: {  	v15 =	vadd.f32 v52, v15  }
0x5e: {  	v53 =	vpop (erf)  }
0x5f: {  	v15 =	vadd.f32 v15, v15;
	v54 =	vpop (erf)  }
0x60: {  	v20 =	vadd.f32 $1.000000000e+00, v54  }
0x61: {  	v15 =	vmul.f32 $1.442695020e+00, v15  }
0x62: {  	(erf) = vrcp.f32 v20  }
0x63: {  	(erf) = vpow2.f32 v15;
	_ =	sdelay $0x1  }
0x64: {  	v55 =	vld [tilespmem:s11+$0x70];
	_ =	sdelay $0x4  }
0x65: {  	v13 =	vadd.f32 v55, v13  }
0x66: {  	v56 =	vpop (erf)  }
0x67: {  	v13 =	vadd.f32 v13, v13;
	v57 =	vpop (erf)  }
0x68: {  	v20 =	vadd.f32 $1.000000000e+00, v57  }
0x69: {  	v13 =	vmul.f32 $1.442695020e+00, v13  }
0x6a: {  	(erf) = vrcp.f32 v20  }
0x6b: {  	(erf) = vpow2.f32 v13;
	_ =	sdelay $0x1  }
0x6c: {  	v58 =	vld [tilespmem:s11+$0x80];
	_ =	sdelay $0x4  }
0x6d: {  	v10 =	vadd.f32 v58, v10  }
0x6e: {  	v59 =	vpop (erf)  }
0x6f: {  	v10 =	vadd.f32 v10, v10;
	v60 =	vpop (erf)  }
0x70: {  	v20 =	vadd.f32 $1.000000000e+00, v60  }
0x71: {  	v10 =	vmul.f32 $1.442695020e+00, v10  }
0x72: {  	(erf) = vrcp.f32 v20  }
0x73: {  	(erf) = vpow2.f32 v10;
	_ =	sdelay $0x1  }
0x74: {  	v61 =	vld [tilespmem:s11+$0x90];
	_ =	sdelay $0x4  }
0x75: {  	v8 =	vadd.f32 v61, v8  }
0x76: {  	v62 =	vpop (erf)  }
0x77: {  	v8 =	vadd.f32 v8, v8;
	v63 =	vpop (erf)  }
0x78: {  	v20 =	vadd.f32 $1.000000000e+00, v63  }
0x79: {  	v8 =	vmul.f32 $1.442695020e+00, v8  }
0x7a: {  	(erf) = vrcp.f32 v20  }
0x7b: {  	(erf) = vpow2.f32 v8;
	_ =	sdelay $0x1  }
0x7c: {  	v23 =	vld [tilespmem:s11+$0xA0];
	_ =	sdelay $0x2  }
0x7d: {  	v3 =	vadd.f32 v14, v3;
	_ =	sdelay $0x1  }
0x7e: {  	v3 =	vadd.f32 v23, v3  }
0x7f: {  	v24 =	vpop (erf)  }
0x80: {  	v3 =	vadd.f32 v3, v3;
	v25 =	vpop (erf)  }
0x81: {  	v14 =	vadd.f32 $1.000000000e+00, v25  }
0x82: {  	v3 =	vmul.f32 $1.442695020e+00, v3  }
0x83: {  	(erf) = vrcp.f32 v14  }
0x84: {  	(erf) = vpow2.f32 v3;
	_ =	sdelay $0x1  }
0x85: {  	v26 =	vld [tilespmem:s11+$0xB0];
	_ =	sdelay $0x2  }
0x86: {  	v5 =	vadd.f32 v11, v5;
	_ =	sdelay $0x1  }
0x87: {  	v3 =	vadd.f32 v26, v5  }
0x88: {  	v27 =	vpop (erf)  }
0x89: {  	v3 =	vadd.f32 v3, v3;
	v28 =	vpop (erf)  }
0x8a: {  	v11 =	vadd.f32 $1.000000000e+00, v28  }
0x8b: {  	v3 =	vmul.f32 $1.442695020e+00, v3  }
0x8c: {  	(erf) = vrcp.f32 v11  }
0x8d: {  	(erf) = vpow2.f32 v3;
	_ =	sdelay $0x1  }
0x8e: {  	v29 =	vld [tilespmem:s11+$0xC0];
	_ =	sdelay $0x2  }
0x8f: {  	v4 =	vadd.f32 v9, v4;
	_ =	sdelay $0x1  }
0x90: {  	v3 =	vadd.f32 v29, v4  }
0x91: {  	v30 =	vpop (erf)  }
0x92: {  	v3 =	vadd.f32 v3, v3;
	v31 =	vpop (erf)  }
0x93: {  	v9 =	vadd.f32 $1.000000000e+00, v31  }
0x94: {  	v3 =	vmul.f32 $1.442695020e+00, v3  }
0x95: {  	(erf) = vrcp.f32 v9  }
0x96: {  	(erf) = vpow2.f32 v3;
	_ =	sdelay $0x1  }
0x97: {  	v32 =	vld [tilespmem:s11+$0xD0];
	_ =	sdelay $0x2  }
0x98: {  	v2 =	vadd.f32 v7, v2;
	_ =	sdelay $0x1  }
0x99: {  	v2 =	vadd.f32 v32, v2  }
0x9a: {  	v33 =	vpop (erf)  }
0x9b: {  	v2 =	vadd.f32 v2, v2;
	v34 =	vpop (erf)  }
0x9c: {  	v7 =	vadd.f32 $1.000000000e+00, v34  }
0x9d: {  	v2 =	vmul.f32 $1.442695020e+00, v2  }
0x9e: {  	(erf) = vrcp.f32 v7  }
0x9f: {  	(erf) = vpow2.f32 v2;
	_ =	sdelay $0x1  }
0xa0: {  	v35 =	vld [tilespmem:s11+$0xE0];
	_ =	sdelay $0x2  }
0xa1: {  	v1 =	vadd.f32 v6, v1;
	_ =	sdelay $0x1  }
0xa2: {  	v1 =	vadd.f32 v35, v1  }
0xa3: {  	v36 =	vpop (erf)  }
0xa4: {  	v1 =	vadd.f32 v1, v1;
	v37 =	vpop (erf)  }
0xa5: {  	v6 =	vadd.f32 $1.000000000e+00, v37  }
0xa6: {  	v1 =	vmul.f32 $1.442695020e+00, v1  }
0xa7: {  	(erf) = vrcp.f32 v6  }
0xa8: {  	(erf) = vpow2.f32 v1;
	_ =	sdelay $0x1  }
0xa9: {  	v38 =	vld [tilespmem:s11+$0xF0];
	_ =	sdelay $0x4  }
0xaa: {  	v0 =	vadd.f32 v38, v0  }
0xab: {  	v39 =	vpop (erf)  }
0xac: {  	v0 =	vadd.f32 v0, v0;
	v40 =	vpop (erf)  }
0xad: {  	v6 =	vadd.f32 $1.000000000e+00, v40  }
0xae: {  	v0 =	vmul.f32 $1.442695020e+00, v0  }
0xaf: {  	(erf) = vrcp.f32 v6  }
0xb0: {  	(erf) = vpow2.f32 v0;
	_ =	sdelay $0x5  }
0xb1: {  	v42 =	vadd.f32 v44, v44;
	v44 =	vadd.f32 v47, v47  }
0xb2: {  	v46 =	vadd.f32 v50, v50  }
0xb3: {  	v47 =	vsub.f32 $1.000000000e+00, v44;
	v43 =	vpop (erf)  }
0xb4: {  	v49 =	vsub.f32 $1.000000000e+00, v46;
	v48 =	vadd.f32 v53, v53;
	v45 =	vpop (erf)  }
0xb5: {  	v50 =	vadd.f32 v56, v56;
	v11 =	vadd.f32 $1.000000000e+00, v45  }
0xb6: {  	[tilespmem:$0x1420] =	vst v47;
	v51 =	vsub.f32 $1.000000000e+00, v48;
	v52 =	vadd.f32 v59, v59  }
0xb7: {  	[tilespmem:$0x1430] =	vst v49;
	v53 =	vsub.f32 $1.000000000e+00, v50;
	v10 =	vadd.f32 v62, v62;
	(erf) = vrcp.f32 v11  }
0xb8: {  	[tilespmem:$0x1440] =	vst v51;
	v54 =	vsub.f32 $1.000000000e+00, v52;
	v8 =	vadd.f32 v24, v24  }
0xb9: {  	[tilespmem:$0x1450] =	vst v53;
	v55 =	vsub.f32 $1.000000000e+00, v10;
	v5 =	vadd.f32 v27, v27  }
0xba: {  	[tilespmem:$0x1460] =	vst v54;
	v56 =	vsub.f32 $1.000000000e+00, v8;
	v4 =	vadd.f32 v30, v30  }
0xbb: {  	[tilespmem:$0x1470] =	vst v55;
	v5 =	vsub.f32 $1.000000000e+00, v5;
	v3 =	vadd.f32 v33, v33  }
0xbc: {  	[tilespmem:$0x1480] =	vst v56;
	v57 =	vsub.f32 $1.000000000e+00, v4;
	v2 =	vadd.f32 v36, v36  }
0xbd: {  	[tilespmem:$0x1490] =	vst v5;
	v3 =	vsub.f32 $1.000000000e+00, v3;
	v1 =	vadd.f32 v39, v39  }
0xbe: {  	[tilespmem:$0x14A0] =	vst v57;
	v58 =	vsub.f32 $1.000000000e+00, v2  }
0xbf: {  	v41 =	vadd.f32 v41, v41;
	[tilespmem:$0x14B0] =	vst v3;
	v1 =	vsub.f32 $1.000000000e+00, v1  }
0xc0: {  	[tilespmem:$0x14C0] =	vst v58;
	v6 =	vsub.f32 $1.000000000e+00, v42;
	v59 =	vadd.f32 v43, v43;
	v60 =	vpop (erf)  }
0xc1: {  	v0 =	vsub.f32 $1.000000000e+00, v41;
	[tilespmem:$0x14D0] =	vst v1;
	v61 =	vadd.f32 v60, v60  }
0xc2: {  	[tilespmem:$0x1410] =	vst v6;
	v62 =	vsub.f32 $1.000000000e+00, v59  }
0xc3: {  	s10 =	sadd.s32 $0x1, s10;
	[tilespmem:$0x1400] =	vst v0;
	v63 =	vsub.f32 $1.000000000e+00, v61  }
0xc4: {  	p0 =	sne.s32 s10, s5;
	[tilespmem:$0x14E0] =	vst v62  }
.Ltmp1:
0xc5: {  	[tilespmem:$0x14F0] =	vst v63;
	(pc) =	sbr.rel @p0 .LBB2_1-.Ltmp1, $4  }
0xc6: {  	[hbm4b:s4+s2] =	stream.linear.scatter [tilespmem:s9], [sflag:$0x1], $0x100, $0x38;
	[tilespmem:$0x1500] =	vst v63  }
0xc7: {  	_ =	swait.ge [sflag:s8], $0x100  }
0xc8: {  	[sflag:s8] =	ssyncset.done $0x0  }
0xc9: {  	[sflag:s8] =	ssyncadd.s32 $0xFFFFFF00  }
0xca: {  	_ =	sfence.sel $0x180000  }
0xcb: {  	[bflag:$0x0] =	sbarrier.arrive $0xFFFF  }
0xcc: {  	p0 =	sne.s32 s1, $0x0;
	_ =	strace $0x90000047  }
0xcd: {  	s0 =	sadd.s32 @!p0 $0x100000, s0;
	[bflag:$0x2] =	sbarrier.arrive $0xFFFF  }
0xce: {  	[sflag:s0] =	ssyncadd.tile.s32 @!p0 $0x1;
	_ =	shalt  }
.Lfunc_end2:
_tile_overlayer_lowered:
.L_overlay_start_2:
0xcf: {  	(tag) =	ssettag $0x2  }
0xd0: {  	s0 =	rddreg [dreg:$0x0];
	s2 =	stileid.u32  }
0xd1: {  	s1 =	rddreg [dreg:$0x1];
	p0 =	sne.s32 s2, $0x0  }
0xd2: {  	s3 =	rddreg [dreg:$0x2];
	[bflag:$0x3] =	sbarrier.arrive $0xFFFF;
	s2 =	simm.s32 @!p0 $0x1C01  }
0xd3: {  	[timem:s3], [sflag:s2] =	dma.local @!p0 [hbm:s0], s1  }
0xd4: {  	s0 =	simm.s32 @!p0 $0x1  }
0xd5: {  	_ =	swait.ge @!p0 [sflag:s0], s1  }
0xd6: {  	s1 =	ssub.s32 @!p0 $0x0, s1;
	[sflag:s0] =	ssyncset.done @!p0 $0x0  }
0xd7: {  	[sflag:s0] =	ssyncadd.s32 @!p0 s1  }
0xd8: {  	[bflag:$0x3] =	sbarrier.arrive $0xFFFF  }
0xd9: {  	_ =	shalt  }

</sc_bundles>
